<compile_context>
chip_gen: v7x
topology: tpu7x:2x2x1
jax: 0.10.2.dev20260603
libtpu: 0.0.44.dev20260713+nightly
codegen_flags: <defaults>
</compile_context>

<pallas_src>
import functools

import jax
import jax.numpy as jnp
from jax import lax
from jax.experimental import pallas as pl
from jax.experimental.pallas import tpu as pltpu
from jax.experimental.pallas import tpu_sc as plsc

BATCH = 16384
DIM = 16
TASKS = 1000000

_info = plsc.get_sparse_core_info()
_NC, _NS, _L = _info.num_cores, _info.num_subcores, _info.num_lanes
_NW = _NC * _NS
_B_PER_W = BATCH // _NW
_WAVE = 16
_N_WAVES = _B_PER_W // _WAVE


def _make_gather():
    mesh = plsc.VectorSubcoreMesh(core_axis_name="c", subcore_axis_name="s")

    @functools.partial(
        pl.kernel,
        mesh=mesh,
        out_type=jax.ShapeDtypeStruct((DIM, BATCH), jnp.float32),
        scratch_types=[
            pltpu.VMEM((_B_PER_W,), jnp.int32),
            pltpu.VMEM((2, _WAVE, 2, 8, 128), jnp.float32),
            pltpu.VMEM((DIM, _B_PER_W), jnp.float32),
            pltpu.SemaphoreType.DMA,
        ],
        compiler_params=pltpu.CompilerParams(needs_layout_passes=False),
    )
    def gather_kernel(idx_hbm, tableT_hbm, outT_hbm, idx_v, blocks_v, rows_v,
                      sem):
        wid = lax.axis_index("s") * _NC + lax.axis_index("c")
        base = wid * _B_PER_W
        pltpu.sync_copy(idx_hbm.at[pl.ds(base, _B_PER_W)], idx_v)

        lanes = lax.iota(jnp.int32, _L)

        def fire(w, buf):
            for g in range(_WAVE // _L):
                v = idx_v[pl.ds(w * _WAVE + g * _L, _L)]
                for k in range(_L):
                    col = pl.multiple_of(v[k] & -128, 128)
                    pltpu.async_copy(
                        tableT_hbm.at[:, :, pl.ds(col, 128)],
                        blocks_v.at[buf, g * _L + k],
                        sem,
                    )

        def drain(buf):
            for t in range(_WAVE):
                pltpu.make_async_copy(
                    tableT_hbm.at[:, :, pl.ds(0, 128)],
                    blocks_v.at[buf, t],
                    sem,
                ).wait()

        def extract(w, buf):
            for g in range(_WAVE // _L):
                vec = idx_v[pl.ds(w * _WAVE + g * _L, _L)]
                lvec = vec & 127
                tvec = jnp.full((_L,), g * _L, jnp.int32) + lanes
                for j in range(DIM):
                    vals = plsc.load_gather(
                        blocks_v,
                        [jnp.full((_L,), buf, jnp.int32), tvec,
                         jnp.full((_L,), j // 8, jnp.int32),
                         jnp.full((_L,), j % 8, jnp.int32), lvec],
                    )
                    plsc.store_scatter(
                        rows_v,
                        [jnp.full((_L,), j, jnp.int32),
                         (w * _WAVE + g * _L) + lanes],
                        vals,
                    )

        fire(0, 0)
        def step(i):
            @pl.when(i < _N_WAVES - 1)
            def _():
                fire(i + 1, (i + 1) % 2)
            drain(i % 2)
            extract(i, i % 2)
        pl.loop(0, _N_WAVES)(step)

        pltpu.sync_copy(rows_v, outT_hbm.at[:, pl.ds(base, _B_PER_W)])

    return gather_kernel


_gather = _make_gather()


def kernel(idx, context_hat):
    idx_flat = idx.reshape(BATCH).astype(jnp.int32)
    out_t = _gather(idx_flat, context_hat.T.reshape(2, 8, TASKS))
    return out_t.T

# --- scband reference (transcript-rebuilt; emitter-appended) ---
"""Pipeline reference for scband-context-model-9466107920425 (READ-ONLY COPY).

The authoritative reference and input builder live on the scoring server;
editing this copy changes nothing except your own understanding.
"""

import jax, jax.numpy as jnp
import numpy as np

TASK_NUM = 1000000
MAX_CONTEXT_DIM = 16
BATCH = 16384
INIT_SCALE = 1.0


def setup_inputs(seed: int = 0) -> dict:
    key = jax.random.key(seed)
    k_idx, k_tab = jax.random.split(key)
    idx = jax.random.randint(k_idx, (BATCH, 1), 0, TASK_NUM, dtype=jnp.int64)
    context_hat = jax.random.normal(k_tab, (TASK_NUM, MAX_CONTEXT_DIM), dtype=jnp.float32) * INIT_SCALE
    return {"idx": idx, "context_hat": context_hat}


def reference(idx, context_hat):
    # Faithful translation of ContextModel.forward with idx not None:
    #   assert idx.shape[-1] == 1; return context_hat[idx[..., 0]]
    assert idx.shape[-1] == 1
    return jnp.take(context_hat, idx[..., 0], axis=0)

if __name__ == "__main__":
    import jax
    _d = setup_inputs()
    print(jax.jit(kernel)(*tuple(_d.values())))

</pallas_src>

<mosaic_0001>
#map = affine_map<(d0, d1) -> (0)>
#map1 = affine_map<(d0, d1) -> (0, 0, 0)>
#map2 = affine_map<(d0, d1) -> (0, 0)>
module attributes {stable_mosaic.version = 14 : i64} {
  func.func @gather_kernel(%arg0: i32, %arg1: i32, %arg2: memref<16384xi32, #tpu.memory_space<hbm>>, %arg3: memref<2x8x1000000xf32, #tpu.memory_space<hbm>>, %arg4: memref<16x16384xf32, #tpu.memory_space<hbm>>, %arg5: memref<512xi32, #tpu.memory_space<vmem>>, %arg6: memref<2x16x2x8x128xf32, #tpu.memory_space<vmem>>, %arg7: memref<16x512xf32, #tpu.memory_space<vmem>>, %arg8: memref<!tpu.dma_semaphore, #tpu.memory_space<semaphore_mem>>) attributes {dimension_semantics = [#tpu.dimension_semantics<core_parallel>, #tpu.dimension_semantics<subcore_parallel>], iteration_bounds = array<i64: 2, 16>, scalar_prefetch = 0 : i64, scratch_operands = 4 : i64, tpu.core_type = #tpu.core_type<sc_vector_subcore>, window_params = [{transform_indices = #map}, {transform_indices = #map1}, {transform_indices = #map2}]} {
    %mul3A = arith.constant 2 : i32
    %mul3A_0 = arith.muli %arg1, %mul3A : i32
    %add3A = arith.addi %mul3A_0, %arg0 : i32
    %mul3A_1 = arith.constant 512 : i32
    %mul3A_2 = arith.muli %add3A, %mul3A_1 : i32
    "tpu.region"() ({
      %run_scoped3A = tpu.sem_alloc : memref<!tpu.dma_semaphore, #tpu.memory_space<semaphore_mem>>
      %dma_start3A_371 = tpu.memref_slice %arg2[%mul3A_2] : memref<16384xi32, #tpu.memory_space<hbm>> -> memref<512xi32, #tpu.memory_space<hbm>>
      %dma_start3A_372 = tpu.memref_slice %arg2[%mul3A_2] : memref<16384xi32, #tpu.memory_space<hbm>> -> memref<512xi32, #tpu.memory_space<hbm>>
      tpu.enqueue_dma source(%dma_start3A_372 : memref<512xi32, #tpu.memory_space<hbm>>) target(%arg5 : memref<512xi32, #tpu.memory_space<vmem>>) target_semaphore(%run_scoped3A : memref<!tpu.dma_semaphore, #tpu.memory_space<semaphore_mem>>)
      %dma_wait3A = tpu.memref_slice %arg2[%mul3A_2] : memref<16384xi32, #tpu.memory_space<hbm>> -> memref<512xi32, #tpu.memory_space<hbm>>
      %dma_wait3A_373 = tpu.memref_slice %arg2[%mul3A_2] : memref<16384xi32, #tpu.memory_space<hbm>> -> memref<512xi32, #tpu.memory_space<hbm>>
      tpu.wait_dma2 semaphore(%run_scoped3A : memref<!tpu.dma_semaphore, #tpu.memory_space<semaphore_mem>>) src(%dma_wait3A_373 : memref<512xi32, #tpu.memory_space<hbm>>) dst(%arg5 : memref<512xi32, #tpu.memory_space<vmem>>)
      tpu.yield
    }) : () -> ()
    %iota3A = tpu.iota {dimensions = array<i32: 0>} : vector<16xi32>
    %get3A = arith.constant 0 : index
    %get3A_3 = tpu.vector_load %arg5[%get3A] {strides = array<i32>} : memref<512xi32, #tpu.memory_space<vmem>>, vector<16xi32>,
    %slice3A = vector.extract_strided_slice %get3A_3 {offsets = [0], sizes = [1], strides = [1]} : vector<16xi32> to vector<1xi32>
    %squeeze3A = vector.extract %slice3A[0] : i32 from vector<1xi32>
    %and3A = arith.constant -128 : i32
    %and3A_4 = arith.andi %squeeze3A, %and3A : i32
    %multiple_of3A = tpu.assume_multiple %and3A_4, 128 : i32
    %dma_start3A = arith.constant 0 : i32
    %dma_start3A_5 = arith.constant 0 : i32
    %dma_start3A_6 = arith.constant 0 : i32
    %dma_start3A_7 = arith.constant 0 : i32
    %dma_start3A_8 = arith.constant 0 : i32
    %dma_start3A_9 = tpu.memref_slice %arg6[%dma_start3A, %dma_start3A_5, %dma_start3A_6, %dma_start3A_7, %dma_start3A_8] : memref<2x16x2x8x128xf32, #tpu.memory_space<vmem>> -> memref<1x1x2x8x128xf32, #tpu.memory_space<vmem>>
    %dma_start3A_10 = tpu.memref_squeeze %dma_start3A_9 : memref<1x1x2x8x128xf32, #tpu.memory_space<vmem>> -> memref<2x8x128xf32, #tpu.memory_space<vmem>>
    %dma_start3A_11 = arith.constant 0 : i32
    %dma_start3A_12 = arith.constant 0 : i32
    %dma_start3A_13 = tpu.memref_slice %arg3[%dma_start3A_11, %dma_start3A_12, %multiple_of3A] : memref<2x8x1000000xf32, #tpu.memory_space<hbm>> -> memref<2x8x128xf32, #tpu.memory_space<hbm>>
    %dma_start3A_14 = arith.constant 0 : i32
    %dma_start3A_15 = arith.constant 0 : i32
    %dma_start3A_16 = arith.constant 0 : i32
    %dma_start3A_17 = tpu.memref_slice %arg6[%dma_start3A, %dma_start3A_5, %dma_start3A_14, %dma_start3A_15, %dma_start3A_16] : memref<2x16x2x8x128xf32, #tpu.memory_space<vmem>> -> memref<1x1x2x8x128xf32, #tpu.memory_space<vmem>>
    %dma_start3A_18 = tpu.memref_squeeze %dma_start3A_17 : memref<1x1x2x8x128xf32, #tpu.memory_space<vmem>> -> memref<2x8x128xf32, #tpu.memory_space<vmem>>
    %dma_start3A_19 = arith.constant 0 : i32
    %dma_start3A_20 = arith.constant 0 : i32
    %dma_start3A_21 = tpu.memref_slice %arg3[%dma_start3A_19, %dma_start3A_20, %multiple_of3A] : memref<2x8x1000000xf32, #tpu.memory_space<hbm>> -> memref<2x8x128xf32, #tpu.memory_space<hbm>>
    tpu.enqueue_dma source(%dma_start3A_21 : memref<2x8x128xf32, #tpu.memory_space<hbm>>) target(%dma_start3A_18 : memref<2x8x128xf32, #tpu.memory_space<vmem>>) target_semaphore(%arg8 : memref<!tpu.dma_semaphore, #tpu.memory_space<semaphore_mem>>)
    %slice3A_22 = vector.extract_strided_slice %get3A_3 {offsets = [1], sizes = [1], strides = [1]} : vector<16xi32> to vector<1xi32>
    %squeeze3A_23 = vector.extract %slice3A_22[0] : i32 from vector<1xi32>
    %and3A_24 = arith.constant -128 : i32
    %and3A_25 = arith.andi %squeeze3A_23, %and3A_24 : i32
    %multiple_of3A_26 = tpu.assume_multiple %and3A_25, 128 : i32
    %dma_start3A_27 = arith.constant 0 : i32
    %dma_start3A_28 = arith.constant 1 : i32
    %dma_start3A_29 = arith.constant 0 : i32
    %dma_start3A_30 = arith.constant 0 : i32
    %dma_start3A_31 = arith.constant 0 : i32
    %dma_start3A_32 = tpu.memref_slice %arg6[%dma_start3A_27, %dma_start3A_28, %dma_start3A_29, %dma_start3A_30, %dma_start3A_31] : memref<2x16x2x8x128xf32, #tpu.memory_space<vmem>> -> memref<1x1x2x8x128xf32, #tpu.memory_space<vmem>>
    %dma_start3A_33 = tpu.memref_squeeze %dma_start3A_32 : memref<1x1x2x8x128xf32, #tpu.memory_space<vmem>> -> memref<2x8x128xf32, #tpu.memory_space<vmem>>
    %dma_start3A_34 = arith.constant 0 : i32
    %dma_start3A_35 = arith.constant 0 : i32
    %dma_start3A_36 = tpu.memref_slice %arg3[%dma_start3A_34, %dma_start3A_35, %multiple_of3A_26] : memref<2x8x1000000xf32, #tpu.memory_space<hbm>> -> memref<2x8x128xf32, #tpu.memory_space<hbm>>
    %dma_start3A_37 = arith.constant 0 : i32
    %dma_start3A_38 = arith.constant 0 : i32
    %dma_start3A_39 = arith.constant 0 : i32
    %dma_start3A_40 = tpu.memref_slice %arg6[%dma_start3A_27, %dma_start3A_28, %dma_start3A_37, %dma_start3A_38, %dma_start3A_39] : memref<2x16x2x8x128xf32, #tpu.memory_space<vmem>> -> memref<1x1x2x8x128xf32, #tpu.memory_space<vmem>>
    %dma_start3A_41 = tpu.memref_squeeze %dma_start3A_40 : memref<1x1x2x8x128xf32, #tpu.memory_space<vmem>> -> memref<2x8x128xf32, #tpu.memory_space<vmem>>
    %dma_start3A_42 = arith.constant 0 : i32
    %dma_start3A_43 = arith.constant 0 : i32
    %dma_start3A_44 = tpu.memref_slice %arg3[%dma_start3A_42, %dma_start3A_43, %multiple_of3A_26] : memref<2x8x1000000xf32, #tpu.memory_space<hbm>> -> memref<2x8x128xf32, #tpu.memory_space<hbm>>
    tpu.enqueue_dma source(%dma_start3A_44 : memref<2x8x128xf32, #tpu.memory_space<hbm>>) target(%dma_start3A_41 : memref<2x8x128xf32, #tpu.memory_space<vmem>>) target_semaphore(%arg8 : memref<!tpu.dma_semaphore, #tpu.memory_space<semaphore_mem>>)
    %slice3A_45 = vector.extract_strided_slice %get3A_3 {offsets = [2], sizes = [1], strides = [1]} : vector<16xi32> to vector<1xi32>
    %squeeze3A_46 = vector.extract %slice3A_45[0] : i32 from vector<1xi32>
    %and3A_47 = arith.constant -128 : i32
    %and3A_48 = arith.andi %squeeze3A_46, %and3A_47 : i32
    %multiple_of3A_49 = tpu.assume_multiple %and3A_48, 128 : i32
    %dma_start3A_50 = arith.constant 0 : i32
    %dma_start3A_51 = arith.constant 2 : i32
    %dma_start3A_52 = arith.constant 0 : i32
    %dma_start3A_53 = arith.constant 0 : i32
    %dma_start3A_54 = arith.constant 0 : i32
    %dma_start3A_55 = tpu.memref_slice %arg6[%dma_start3A_50, %dma_start3A_51, %dma_start3A_52, %dma_start3A_53, %dma_start3A_54] : memref<2x16x2x8x128xf32, #tpu.memory_space<vmem>> -> memref<1x1x2x8x128xf32, #tpu.memory_space<vmem>>
    %dma_start3A_56 = tpu.memref_squeeze %dma_start3A_55 : memref<1x1x2x8x128xf32, #tpu.memory_space<vmem>> -> memref<2x8x128xf32, #tpu.memory_space<vmem>>
    %dma_start3A_57 = arith.constant 0 : i32
    %dma_start3A_58 = arith.constant 0 : i32
    %dma_start3A_59 = tpu.memref_slice %arg3[%dma_start3A_57, %dma_start3A_58, %multiple_of3A_49] : memref<2x8x1000000xf32, #tpu.memory_space<hbm>> -> memref<2x8x128xf32, #tpu.memory_space<hbm>>
    %dma_start3A_60 = arith.constant 0 : i32
    %dma_start3A_61 = arith.constant 0 : i32
    %dma_start3A_62 = arith.constant 0 : i32
    %dma_start3A_63 = tpu.memref_slice %arg6[%dma_start3A_50, %dma_start3A_51, %dma_start3A_60, %dma_start3A_61, %dma_start3A_62] : memref<2x16x2x8x128xf32, #tpu.memory_space<vmem>> -> memref<1x1x2x8x128xf32, #tpu.memory_space<vmem>>
    %dma_start3A_64 = tpu.memref_squeeze %dma_start3A_63 : memref<1x1x2x8x128xf32, #tpu.memory_space<vmem>> -> memref<2x8x128xf32, #tpu.memory_space<vmem>>
    %dma_start3A_65 = arith.constant 0 : i32
    %dma_start3A_66 = arith.constant 0 : i32
    %dma_start3A_67 = tpu.memref_slice %arg3[%dma_start3A_65, %dma_start3A_66, %multiple_of3A_49] : memref<2x8x1000000xf32, #tpu.memory_space<hbm>> -> memref<2x8x128xf32, #tpu.memory_space<hbm>>
    tpu.enqueue_dma source(%dma_start3A_67 : memref<2x8x128xf32, #tpu.memory_space<hbm>>) target(%dma_start3A_64 : memref<2x8x128xf32, #tpu.memory_space<vmem>>) target_semaphore(%arg8 : memref<!tpu.dma_semaphore, #tpu.memory_space<semaphore_mem>>)
    %slice3A_68 = vector.extract_strided_slice %get3A_3 {offsets = [3], sizes = [1], strides = [1]} : vector<16xi32> to vector<1xi32>
    %squeeze3A_69 = vector.extract %slice3A_68[0] : i32 from vector<1xi32>
    %and3A_70 = arith.constant -128 : i32
    %and3A_71 = arith.andi %squeeze3A_69, %and3A_70 : i32
    %multiple_of3A_72 = tpu.assume_multiple %and3A_71, 128 : i32
    %dma_start3A_73 = arith.constant 0 : i32
    %dma_start3A_74 = arith.constant 3 : i32
    %dma_start3A_75 = arith.constant 0 : i32
    %dma_start3A_76 = arith.constant 0 : i32
    %dma_start3A_77 = arith.constant 0 : i32
    %dma_start3A_78 = tpu.memref_slice %arg6[%dma_start3A_73, %dma_start3A_74, %dma_start3A_75, %dma_start3A_76, %dma_start3A_77] : memref<2x16x2x8x128xf32, #tpu.memory_space<vmem>> -> memref<1x1x2x8x128xf32, #tpu.memory_space<vmem>>
    %dma_start3A_79 = tpu.memref_squeeze %dma_start3A_78 : memref<1x1x2x8x128xf32, #tpu.memory_space<vmem>> -> memref<2x8x128xf32, #tpu.memory_space<vmem>>
    %dma_start3A_80 = arith.constant 0 : i32
    %dma_start3A_81 = arith.constant 0 : i32
    %dma_start3A_82 = tpu.memref_slice %arg3[%dma_start3A_80, %dma_start3A_81, %multiple_of3A_72] : memref<2x8x1000000xf32, #tpu.memory_space<hbm>> -> memref<2x8x128xf32, #tpu.memory_space<hbm>>
    %dma_start3A_83 = arith.constant 0 : i32
    %dma_start3A_84 = arith.constant 0 : i32
    %dma_start3A_85 = arith.constant 0 : i32
    %dma_start3A_86 = tpu.memref_slice %arg6[%dma_start3A_73, %dma_start3A_74, %dma_start3A_83, %dma_start3A_84, %dma_start3A_85] : memref<2x16x2x8x128xf32, #tpu.memory_space<vmem>> -> memref<1x1x2x8x128xf32, #tpu.memory_space<vmem>>
    %dma_start3A_87 = tpu.memref_squeeze %dma_start3A_86 : memref<1x1x2x8x128xf32, #tpu.memory_space<vmem>> -> memref<2x8x128xf32, #tpu.memory_space<vmem>>
    %dma_start3A_88 = arith.constant 0 : i32
    %dma_start3A_89 = arith.constant 0 : i32
    %dma_start3A_90 = tpu.memref_slice %arg3[%dma_start3A_88, %dma_start3A_89, %multiple_of3A_72] : memref<2x8x1000000xf32, #tpu.memory_space<hbm>> -> memref<2x8x128xf32, #tpu.memory_space<hbm>>
    tpu.enqueue_dma source(%dma_start3A_90 : memref<2x8x128xf32, #tpu.memory_space<hbm>>) target(%dma_start3A_87 : memref<2x8x128xf32, #tpu.memory_space<vmem>>) target_semaphore(%arg8 : memref<!tpu.dma_semaphore, #tpu.memory_space<semaphore_mem>>)
    %slice3A_91 = vector.extract_strided_slice %get3A_3 {offsets = [4], sizes = [1], strides = [1]} : vector<16xi32> to vector<1xi32>
    %squeeze3A_92 = vector.extract %slice3A_91[0] : i32 from vector<1xi32>
    %and3A_93 = arith.constant -128 : i32
    %and3A_94 = arith.andi %squeeze3A_92, %and3A_93 : i32
    %multiple_of3A_95 = tpu.assume_multiple %and3A_94, 128 : i32
    %dma_start3A_96 = arith.constant 0 : i32
    %dma_start3A_97 = arith.constant 4 : i32
    %dma_start3A_98 = arith.constant 0 : i32
    %dma_start3A_99 = arith.constant 0 : i32
    %dma_start3A_100 = arith.constant 0 : i32
    %dma_start3A_101 = tpu.memref_slice %arg6[%dma_start3A_96, %dma_start3A_97, %dma_start3A_98, %dma_start3A_99, %dma_start3A_100] : memref<2x16x2x8x128xf32, #tpu.memory_space<vmem>> -> memref<1x1x2x8x128xf32, #tpu.memory_space<vmem>>
    %dma_start3A_102 = tpu.memref_squeeze %dma_start3A_101 : memref<1x1x2x8x128xf32, #tpu.memory_space<vmem>> -> memref<2x8x128xf32, #tpu.memory_space<vmem>>
    %dma_start3A_103 = arith.constant 0 : i32
    %dma_start3A_104 = arith.constant 0 : i32
    %dma_start3A_105 = tpu.memref_slice %arg3[%dma_start3A_103, %dma_start3A_104, %multiple_of3A_95] : memref<2x8x1000000xf32, #tpu.memory_space<hbm>> -> memref<2x8x128xf32, #tpu.memory_space<hbm>>
    %dma_start3A_106 = arith.constant 0 : i32
    %dma_start3A_107 = arith.constant 0 : i32
    %dma_start3A_108 = arith.constant 0 : i32
    %dma_start3A_109 = tpu.memref_slice %arg6[%dma_start3A_96, %dma_start3A_97, %dma_start3A_106, %dma_start3A_107, %dma_start3A_108] : memref<2x16x2x8x128xf32, #tpu.memory_space<vmem>> -> memref<1x1x2x8x128xf32, #tpu.memory_space<vmem>>
    %dma_start3A_110 = tpu.memref_squeeze %dma_start3A_109 : memref<1x1x2x8x128xf32, #tpu.memory_space<vmem>> -> memref<2x8x128xf32, #tpu.memory_space<vmem>>
    %dma_start3A_111 = arith.constant 0 : i32
    %dma_start3A_112 = arith.constant 0 : i32
    %dma_start3A_113 = tpu.memref_slice %arg3[%dma_start3A_111, %dma_start3A_112, %multiple_of3A_95] : memref<2x8x1000000xf32, #tpu.memory_space<hbm>> -> memref<2x8x128xf32, #tpu.memory_space<hbm>>
    tpu.enqueue_dma source(%dma_start3A_113 : memref<2x8x128xf32, #tpu.memory_space<hbm>>) target(%dma_start3A_110 : memref<2x8x128xf32, #tpu.memory_space<vmem>>) target_semaphore(%arg8 : memref<!tpu.dma_semaphore, #tpu.memory_space<semaphore_mem>>)
    %slice3A_114 = vector.extract_strided_slice %get3A_3 {offsets = [5], sizes = [1], strides = [1]} : vector<16xi32> to vector<1xi32>
    %squeeze3A_115 = vector.extract %slice3A_114[0] : i32 from vector<1xi32>
    %and3A_116 = arith.constant -128 : i32
    %and3A_117 = arith.andi %squeeze3A_115, %and3A_116 : i32
    %multiple_of3A_118 = tpu.assume_multiple %and3A_117, 128 : i32
    %dma_start3A_119 = arith.constant 0 : i32
    %dma_start3A_120 = arith.constant 5 : i32
    %dma_start3A_121 = arith.constant 0 : i32
    %dma_start3A_122 = arith.constant 0 : i32
    %dma_start3A_123 = arith.constant 0 : i32
    %dma_start3A_124 = tpu.memref_slice %arg6[%dma_start3A_119, %dma_start3A_120, %dma_start3A_121, %dma_start3A_122, %dma_start3A_123] : memref<2x16x2x8x128xf32, #tpu.memory_space<vmem>> -> memref<1x1x2x8x128xf32, #tpu.memory_space<vmem>>
    %dma_start3A_125 = tpu.memref_squeeze %dma_start3A_124 : memref<1x1x2x8x128xf32, #tpu.memory_space<vmem>> -> memref<2x8x128xf32, #tpu.memory_space<vmem>>
    %dma_start3A_126 = arith.constant 0 : i32
    %dma_start3A_127 = arith.constant 0 : i32
    %dma_start3A_128 = tpu.memref_slice %arg3[%dma_start3A_126, %dma_start3A_127, %multiple_of3A_118] : memref<2x8x1000000xf32, #tpu.memory_space<hbm>> -> memref<2x8x128xf32, #tpu.memory_space<hbm>>
    %dma_start3A_129 = arith.constant 0 : i32
    %dma_start3A_130 = arith.constant 0 : i32
    %dma_start3A_131 = arith.constant 0 : i32
    %dma_start3A_132 = tpu.memref_slice %arg6[%dma_start3A_119, %dma_start3A_120, %dma_start3A_129, %dma_start3A_130, %dma_start3A_131] : memref<2x16x2x8x128xf32, #tpu.memory_space<vmem>> -> memref<1x1x2x8x128xf32, #tpu.memory_space<vmem>>
    %dma_start3A_133 = tpu.memref_squeeze %dma_start3A_132 : memref<1x1x2x8x128xf32, #tpu.memory_space<vmem>> -> memref<2x8x128xf32, #tpu.memory_space<vmem>>
    %dma_start3A_134 = arith.constant 0 : i32
    %dma_start3A_135 = arith.constant 0 : i32
    %dma_start3A_136 = tpu.memref_slice %arg3[%dma_start3A_134, %dma_start3A_135, %multiple_of3A_118] : memref<2x8x1000000xf32, #tpu.memory_space<hbm>> -> memref<2x8x128xf32, #tpu.memory_space<hbm>>
    tpu.enqueue_dma source(%dma_start3A_136 : memref<2x8x128xf32, #tpu.memory_space<hbm>>) target(%dma_start3A_133 : memref<2x8x128xf32, #tpu.memory_space<vmem>>) target_semaphore(%arg8 : memref<!tpu.dma_semaphore, #tpu.memory_space<semaphore_mem>>)
    %slice3A_137 = vector.extract_strided_slice %get3A_3 {offsets = [6], sizes = [1], strides = [1]} : vector<16xi32> to vector<1xi32>
    %squeeze3A_138 = vector.extract %slice3A_137[0] : i32 from vector<1xi32>
    %and3A_139 = arith.constant -128 : i32
    %and3A_140 = arith.andi %squeeze3A_138, %and3A_139 : i32
    %multiple_of3A_141 = tpu.assume_multiple %and3A_140, 128 : i32
    %dma_start3A_142 = arith.constant 0 : i32
    %dma_start3A_143 = arith.constant 6 : i32
    %dma_start3A_144 = arith.constant 0 : i32
    %dma_start3A_145 = arith.constant 0 : i32
    %dma_start3A_146 = arith.constant 0 : i32
    %dma_start3A_147 = tpu.memref_slice %arg6[%dma_start3A_142, %dma_start3A_143, %dma_start3A_144, %dma_start3A_145, %dma_start3A_146] : memref<2x16x2x8x128xf32, #tpu.memory_space<vmem>> -> memref<1x1x2x8x128xf32, #tpu.memory_space<vmem>>
    %dma_start3A_148 = tpu.memref_squeeze %dma_start3A_147 : memref<1x1x2x8x128xf32, #tpu.memory_space<vmem>> -> memref<2x8x128xf32, #tpu.memory_space<vmem>>
    %dma_start3A_149 = arith.constant 0 : i32
    %dma_start3A_150 = arith.constant 0 : i32
    %dma_start3A_151 = tpu.memref_slice %arg3[%dma_start3A_149, %dma_start3A_150, %multiple_of3A_141] : memref<2x8x1000000xf32, #tpu.memory_space<hbm>> -> memref<2x8x128xf32, #tpu.memory_space<hbm>>
    %dma_start3A_152 = arith.constant 0 : i32
    %dma_start3A_153 = arith.constant 0 : i32
    %dma_start3A_154 = arith.constant 0 : i32
    %dma_start3A_155 = tpu.memref_slice %arg6[%dma_start3A_142, %dma_start3A_143, %dma_start3A_152, %dma_start3A_153, %dma_start3A_154] : memref<2x16x2x8x128xf32, #tpu.memory_space<vmem>> -> memref<1x1x2x8x128xf32, #tpu.memory_space<vmem>>
    %dma_start3A_156 = tpu.memref_squeeze %dma_start3A_155 : memref<1x1x2x8x128xf32, #tpu.memory_space<vmem>> -> memref<2x8x128xf32, #tpu.memory_space<vmem>>
    %dma_start3A_157 = arith.constant 0 : i32
    %dma_start3A_158 = arith.constant 0 : i32
    %dma_start3A_159 = tpu.memref_slice %arg3[%dma_start3A_157, %dma_start3A_158, %multiple_of3A_141] : memref<2x8x1000000xf32, #tpu.memory_space<hbm>> -> memref<2x8x128xf32, #tpu.memory_space<hbm>>
    tpu.enqueue_dma source(%dma_start3A_159 : memref<2x8x128xf32, #tpu.memory_space<hbm>>) target(%dma_start3A_156 : memref<2x8x128xf32, #tpu.memory_space<vmem>>) target_semaphore(%arg8 : memref<!tpu.dma_semaphore, #tpu.memory_space<semaphore_mem>>)
    %slice3A_160 = vector.extract_strided_slice %get3A_3 {offsets = [7], sizes = [1], strides = [1]} : vector<16xi32> to vector<1xi32>
    %squeeze3A_161 = vector.extract %slice3A_160[0] : i32 from vector<1xi32>
    %and3A_162 = arith.constant -128 : i32
    %and3A_163 = arith.andi %squeeze3A_161, %and3A_162 : i32
    %multiple_of3A_164 = tpu.assume_multiple %and3A_163, 128 : i32
    %dma_start3A_165 = arith.constant 0 : i32
    %dma_start3A_166 = arith.constant 7 : i32
    %dma_start3A_167 = arith.constant 0 : i32
    %dma_start3A_168 = arith.constant 0 : i32
    %dma_start3A_169 = arith.constant 0 : i32
    %dma_start3A_170 = tpu.memref_slice %arg6[%dma_start3A_165, %dma_start3A_166, %dma_start3A_167, %dma_start3A_168, %dma_start3A_169] : memref<2x16x2x8x128xf32, #tpu.memory_space<vmem>> -> memref<1x1x2x8x128xf32, #tpu.memory_space<vmem>>
    %dma_start3A_171 = tpu.memref_squeeze %dma_start3A_170 : memref<1x1x2x8x128xf32, #tpu.memory_space<vmem>> -> memref<2x8x128xf32, #tpu.memory_space<vmem>>
    %dma_start3A_172 = arith.constant 0 : i32
    %dma_start3A_173 = arith.constant 0 : i32
    %dma_start3A_174 = tpu.memref_slice %arg3[%dma_start3A_172, %dma_start3A_173, %multiple_of3A_164] : memref<2x8x1000000xf32, #tpu.memory_space<hbm>> -> memref<2x8x128xf32, #tpu.memory_space<hbm>>
    %dma_start3A_175 = arith.constant 0 : i32
    %dma_start3A_176 = arith.constant 0 : i32
    %dma_start3A_177 = arith.constant 0 : i32
    %dma_start3A_178 = tpu.memref_slice %arg6[%dma_start3A_165, %dma_start3A_166, %dma_start3A_175, %dma_start3A_176, %dma_start3A_177] : memref<2x16x2x8x128xf32, #tpu.memory_space<vmem>> -> memref<1x1x2x8x128xf32, #tpu.memory_space<vmem>>
    %dma_start3A_179 = tpu.memref_squeeze %dma_start3A_178 : memref<1x1x2x8x128xf32, #tpu.memory_space<vmem>> -> memref<2x8x128xf32, #tpu.memory_space<vmem>>
    %dma_start3A_180 = arith.constant 0 : i32
    %dma_start3A_181 = arith.constant 0 : i32
    %dma_start3A_182 = tpu.memref_slice %arg3[%dma_start3A_180, %dma_start3A_181, %multiple_of3A_164] : memref<2x8x1000000xf32, #tpu.memory_space<hbm>> -> memref<2x8x128xf32, #tpu.memory_space<hbm>>
    tpu.enqueue_dma source(%dma_start3A_182 : memref<2x8x128xf32, #tpu.memory_space<hbm>>) target(%dma_start3A_179 : memref<2x8x128xf32, #tpu.memory_space<vmem>>) target_semaphore(%arg8 : memref<!tpu.dma_semaphore, #tpu.memory_space<semaphore_mem>>)
    %slice3A_183 = vector.extract_strided_slice %get3A_3 {offsets = [8], sizes = [1], strides = [1]} : vector<16xi32> to vector<1xi32>
    %squeeze3A_184 = vector.extract %slice3A_183[0] : i32 from vector<1xi32>
    %and3A_185 = arith.constant -128 : i32
    %and3A_186 = arith.andi %squeeze3A_184, %and3A_185 : i32
    %multiple_of3A_187 = tpu.assume_multiple %and3A_186, 128 : i32
    %dma_start3A_188 = arith.constant 0 : i32
    %dma_start3A_189 = arith.constant 8 : i32
    %dma_start3A_190 = arith.constant 0 : i32
    %dma_start3A_191 = arith.constant 0 : i32
    %dma_start3A_192 = arith.constant 0 : i32
    %dma_start3A_193 = tpu.memref_slice %arg6[%dma_start3A_188, %dma_start3A_189, %dma_start3A_190, %dma_start3A_191, %dma_start3A_192] : memref<2x16x2x8x128xf32, #tpu.memory_space<vmem>> -> memref<1x1x2x8x128xf32, #tpu.memory_space<vmem>>
    %dma_start3A_194 = tpu.memref_squeeze %dma_start3A_193 : memref<1x1x2x8x128xf32, #tpu.memory_space<vmem>> -> memref<2x8x128xf32, #tpu.memory_space<vmem>>
    %dma_start3A_195 = arith.constant 0 : i32
    %dma_start3A_196 = arith.constant 0 : i32
    %dma_start3A_197 = tpu.memref_slice %arg3[%dma_start3A_195, %dma_start3A_196, %multiple_of3A_187] : memref<2x8x1000000xf32, #tpu.memory_space<hbm>> -> memref<2x8x128xf32, #tpu.memory_space<hbm>>
    %dma_start3A_198 = arith.constant 0 : i32
    %dma_start3A_199 = arith.constant 0 : i32
    %dma_start3A_200 = arith.constant 0 : i32
    %dma_start3A_201 = tpu.memref_slice %arg6[%dma_start3A_188, %dma_start3A_189, %dma_start3A_198, %dma_start3A_199, %dma_start3A_200] : memref<2x16x2x8x128xf32, #tpu.memory_space<vmem>> -> memref<1x1x2x8x128xf32, #tpu.memory_space<vmem>>
    %dma_start3A_202 = tpu.memref_squeeze %dma_start3A_201 : memref<1x1x2x8x128xf32, #tpu.memory_space<vmem>> -> memref<2x8x128xf32, #tpu.memory_space<vmem>>
    %dma_start3A_203 = arith.constant 0 : i32
    %dma_start3A_204 = arith.constant 0 : i32
    %dma_start3A_205 = tpu.memref_slice %arg3[%dma_start3A_203, %dma_start3A_204, %multiple_of3A_187] : memref<2x8x1000000xf32, #tpu.memory_space<hbm>> -> memref<2x8x128xf32, #tpu.memory_space<hbm>>
    tpu.enqueue_dma source(%dma_start3A_205 : memref<2x8x128xf32, #tpu.memory_space<hbm>>) target(%dma_start3A_202 : memref<2x8x128xf32, #tpu.memory_space<vmem>>) target_semaphore(%arg8 : memref<!tpu.dma_semaphore, #tpu.memory_space<semaphore_mem>>)
    %slice3A_206 = vector.extract_strided_slice %get3A_3 {offsets = [9], sizes = [1], strides = [1]} : vector<16xi32> to vector<1xi32>
    %squeeze3A_207 = vector.extract %slice3A_206[0] : i32 from vector<1xi32>
    %and3A_208 = arith.constant -128 : i32
    %and3A_209 = arith.andi %squeeze3A_207, %and3A_208 : i32
    %multiple_of3A_210 = tpu.assume_multiple %and3A_209, 128 : i32
    %dma_start3A_211 = arith.constant 0 : i32
    %dma_start3A_212 = arith.constant 9 : i32
    %dma_start3A_213 = arith.constant 0 : i32
    %dma_start3A_214 = arith.constant 0 : i32
    %dma_start3A_215 = arith.constant 0 : i32
    %dma_start3A_216 = tpu.memref_slice %arg6[%dma_start3A_211, %dma_start3A_212, %dma_start3A_213, %dma_start3A_214, %dma_start3A_215] : memref<2x16x2x8x128xf32, #tpu.memory_space<vmem>> -> memref<1x1x2x8x128xf32, #tpu.memory_space<vmem>>
    %dma_start3A_217 = tpu.memref_squeeze %dma_start3A_216 : memref<1x1x2x8x128xf32, #tpu.memory_space<vmem>> -> memref<2x8x128xf32, #tpu.memory_space<vmem>>
    %dma_start3A_218 = arith.constant 0 : i32
    %dma_start3A_219 = arith.constant 0 : i32
    %dma_start3A_220 = tpu.memref_slice %arg3[%dma_start3A_218, %dma_start3A_219, %multiple_of3A_210] : memref<2x8x1000000xf32, #tpu.memory_space<hbm>> -> memref<2x8x128xf32, #tpu.memory_space<hbm>>
    %dma_start3A_221 = arith.constant 0 : i32
    %dma_start3A_222 = arith.constant 0 : i32
    %dma_start3A_223 = arith.constant 0 : i32
    %dma_start3A_224 = tpu.memref_slice %arg6[%dma_start3A_211, %dma_start3A_212, %dma_start3A_221, %dma_start3A_222, %dma_start3A_223] : memref<2x16x2x8x128xf32, #tpu.memory_space<vmem>> -> memref<1x1x2x8x128xf32, #tpu.memory_space<vmem>>
    %dma_start3A_225 = tpu.memref_squeeze %dma_start3A_224 : memref<1x1x2x8x128xf32, #tpu.memory_space<vmem>> -> memref<2x8x128xf32, #tpu.memory_space<vmem>>
    %dma_start3A_226 = arith.constant 0 : i32
    %dma_start3A_227 = arith.constant 0 : i32
    %dma_start3A_228 = tpu.memref_slice %arg3[%dma_start3A_226, %dma_start3A_227, %multiple_of3A_210] : memref<2x8x1000000xf32, #tpu.memory_space<hbm>> -> memref<2x8x128xf32, #tpu.memory_space<hbm>>
    tpu.enqueue_dma source(%dma_start3A_228 : memref<2x8x128xf32, #tpu.memory_space<hbm>>) target(%dma_start3A_225 : memref<2x8x128xf32, #tpu.memory_space<vmem>>) target_semaphore(%arg8 : memref<!tpu.dma_semaphore, #tpu.memory_space<semaphore_mem>>)
    %slice3A_229 = vector.extract_strided_slice %get3A_3 {offsets = [10], sizes = [1], strides = [1]} : vector<16xi32> to vector<1xi32>
    %squeeze3A_230 = vector.extract %slice3A_229[0] : i32 from vector<1xi32>
    %and3A_231 = arith.constant -128 : i32
    %and3A_232 = arith.andi %squeeze3A_230, %and3A_231 : i32
    %multiple_of3A_233 = tpu.assume_multiple %and3A_232, 128 : i32
    %dma_start3A_234 = arith.constant 0 : i32
    %dma_start3A_235 = arith.constant 10 : i32
    %dma_start3A_236 = arith.constant 0 : i32
    %dma_start3A_237 = arith.constant 0 : i32
    %dma_start3A_238 = arith.constant 0 : i32
    %dma_start3A_239 = tpu.memref_slice %arg6[%dma_start3A_234, %dma_start3A_235, %dma_start3A_236, %dma_start3A_237, %dma_start3A_238] : memref<2x16x2x8x128xf32, #tpu.memory_space<vmem>> -> memref<1x1x2x8x128xf32, #tpu.memory_space<vmem>>
    %dma_start3A_240 = tpu.memref_squeeze %dma_start3A_239 : memref<1x1x2x8x128xf32, #tpu.memory_space<vmem>> -> memref<2x8x128xf32, #tpu.memory_space<vmem>>
    %dma_start3A_241 = arith.constant 0 : i32
    %dma_start3A_242 = arith.constant 0 : i32
    %dma_start3A_243 = tpu.memref_slice %arg3[%dma_start3A_241, %dma_start3A_242, %multiple_of3A_233] : memref<2x8x1000000xf32, #tpu.memory_space<hbm>> -> memref<2x8x128xf32, #tpu.memory_space<hbm>>
    %dma_start3A_244 = arith.constant 0 : i32
    %dma_start3A_245 = arith.constant 0 : i32
    %dma_start3A_246 = arith.constant 0 : i32
    %dma_start3A_247 = tpu.memref_slice %arg6[%dma_start3A_234, %dma_start3A_235, %dma_start3A_244, %dma_start3A_245, %dma_start3A_246] : memref<2x16x2x8x128xf32, #tpu.memory_space<vmem>> -> memref<1x1x2x8x128xf32, #tpu.memory_space<vmem>>
    %dma_start3A_248 = tpu.memref_squeeze %dma_start3A_247 : memref<1x1x2x8x128xf32, #tpu.memory_space<vmem>> -> memref<2x8x128xf32, #tpu.memory_space<vmem>>
    %dma_start3A_249 = arith.constant 0 : i32
    %dma_start3A_250 = arith.constant 0 : i32
    %dma_start3A_251 = tpu.memref_slice %arg3[%dma_start3A_249, %dma_start3A_250, %multiple_of3A_233] : memref<2x8x1000000xf32, #tpu.memory_space<hbm>> -> memref<2x8x128xf32, #tpu.memory_space<hbm>>
    tpu.enqueue_dma source(%dma_start3A_251 : memref<2x8x128xf32, #tpu.memory_space<hbm>>) target(%dma_start3A_248 : memref<2x8x128xf32, #tpu.memory_space<vmem>>) target_semaphore(%arg8 : memref<!tpu.dma_semaphore, #tpu.memory_space<semaphore_mem>>)
    %slice3A_252 = vector.extract_strided_slice %get3A_3 {offsets = [11], sizes = [1], strides = [1]} : vector<16xi32> to vector<1xi32>
    %squeeze3A_253 = vector.extract %slice3A_252[0] : i32 from vector<1xi32>
    %and3A_254 = arith.constant -128 : i32
    %and3A_255 = arith.andi %squeeze3A_253, %and3A_254 : i32
    %multiple_of3A_256 = tpu.assume_multiple %and3A_255, 128 : i32
    %dma_start3A_257 = arith.constant 0 : i32
    %dma_start3A_258 = arith.constant 11 : i32
    %dma_start3A_259 = arith.constant 0 : i32
    %dma_start3A_260 = arith.constant 0 : i32
    %dma_start3A_261 = arith.constant 0 : i32
    %dma_start3A_262 = tpu.memref_slice %arg6[%dma_start3A_257, %dma_start3A_258, %dma_start3A_259, %dma_start3A_260, %dma_start3A_261] : memref<2x16x2x8x128xf32, #tpu.memory_space<vmem>> -> memref<1x1x2x8x128xf32, #tpu.memory_space<vmem>>
    %dma_start3A_263 = tpu.memref_squeeze %dma_start3A_262 : memref<1x1x2x8x128xf32, #tpu.memory_space<vmem>> -> memref<2x8x128xf32, #tpu.memory_space<vmem>>
    %dma_start3A_264 = arith.constant 0 : i32
    %dma_start3A_265 = arith.constant 0 : i32
    %dma_start3A_266 = tpu.memref_slice %arg3[%dma_start3A_264, %dma_start3A_265, %multiple_of3A_256] : memref<2x8x1000000xf32, #tpu.memory_space<hbm>> -> memref<2x8x128xf32, #tpu.memory_space<hbm>>
    %dma_start3A_267 = arith.constant 0 : i32
    %dma_start3A_268 = arith.constant 0 : i32
    %dma_start3A_269 = arith.constant 0 : i32
    %dma_start3A_270 = tpu.memref_slice %arg6[%dma_start3A_257, %dma_start3A_258, %dma_start3A_267, %dma_start3A_268, %dma_start3A_269] : memref<2x16x2x8x128xf32, #tpu.memory_space<vmem>> -> memref<1x1x2x8x128xf32, #tpu.memory_space<vmem>>
    %dma_start3A_271 = tpu.memref_squeeze %dma_start3A_270 : memref<1x1x2x8x128xf32, #tpu.memory_space<vmem>> -> memref<2x8x128xf32, #tpu.memory_space<vmem>>
    %dma_start3A_272 = arith.constant 0 : i32
    %dma_start3A_273 = arith.constant 0 : i32
    %dma_start3A_274 = tpu.memref_slice %arg3[%dma_start3A_272, %dma_start3A_273, %multiple_of3A_256] : memref<2x8x1000000xf32, #tpu.memory_space<hbm>> -> memref<2x8x128xf32, #tpu.memory_space<hbm>>
    tpu.enqueue_dma source(%dma_start3A_274 : memref<2x8x128xf32, #tpu.memory_space<hbm>>) target(%dma_start3A_271 : memref<2x8x128xf32, #tpu.memory_space<vmem>>) target_semaphore(%arg8 : memref<!tpu.dma_semaphore, #tpu.memory_space<semaphore_mem>>)
    %slice3A_275 = vector.extract_strided_slice %get3A_3 {offsets = [12], sizes = [1], strides = [1]} : vector<16xi32> to vector<1xi32>
    %squeeze3A_276 = vector.extract %slice3A_275[0] : i32 from vector<1xi32>
    %and3A_277 = arith.constant -128 : i32
    %and3A_278 = arith.andi %squeeze3A_276, %and3A_277 : i32
    %multiple_of3A_279 = tpu.assume_multiple %and3A_278, 128 : i32
    %dma_start3A_280 = arith.constant 0 : i32
    %dma_start3A_281 = arith.constant 12 : i32
    %dma_start3A_282 = arith.constant 0 : i32
    %dma_start3A_283 = arith.constant 0 : i32
    %dma_start3A_284 = arith.constant 0 : i32
    %dma_start3A_285 = tpu.memref_slice %arg6[%dma_start3A_280, %dma_start3A_281, %dma_start3A_282, %dma_start3A_283, %dma_start3A_284] : memref<2x16x2x8x128xf32, #tpu.memory_space<vmem>> -> memref<1x1x2x8x128xf32, #tpu.memory_space<vmem>>
    %dma_start3A_286 = tpu.memref_squeeze %dma_start3A_285 : memref<1x1x2x8x128xf32, #tpu.memory_space<vmem>> -> memref<2x8x128xf32, #tpu.memory_space<vmem>>
    %dma_start3A_287 = arith.constant 0 : i32
    %dma_start3A_288 = arith.constant 0 : i32
    %dma_start3A_289 = tpu.memref_slice %arg3[%dma_start3A_287, %dma_start3A_288, %multiple_of3A_279] : memref<2x8x1000000xf32, #tpu.memory_space<hbm>> -> memref<2x8x128xf32, #tpu.memory_space<hbm>>
    %dma_start3A_290 = arith.constant 0 : i32
    %dma_start3A_291 = arith.constant 0 : i32
    %dma_start3A_292 = arith.constant 0 : i32
    %dma_start3A_293 = tpu.memref_slice %arg6[%dma_start3A_280, %dma_start3A_281, %dma_start3A_290, %dma_start3A_291, %dma_start3A_292] : memref<2x16x2x8x128xf32, #tpu.memory_space<vmem>> -> memref<1x1x2x8x128xf32, #tpu.memory_space<vmem>>
    %dma_start3A_294 = tpu.memref_squeeze %dma_start3A_293 : memref<1x1x2x8x128xf32, #tpu.memory_space<vmem>> -> memref<2x8x128xf32, #tpu.memory_space<vmem>>
    %dma_start3A_295 = arith.constant 0 : i32
    %dma_start3A_296 = arith.constant 0 : i32
    %dma_start3A_297 = tpu.memref_slice %arg3[%dma_start3A_295, %dma_start3A_296, %multiple_of3A_279] : memref<2x8x1000000xf32, #tpu.memory_space<hbm>> -> memref<2x8x128xf32, #tpu.memory_space<hbm>>
    tpu.enqueue_dma source(%dma_start3A_297 : memref<2x8x128xf32, #tpu.memory_space<hbm>>) target(%dma_start3A_294 : memref<2x8x128xf32, #tpu.memory_space<vmem>>) target_semaphore(%arg8 : memref<!tpu.dma_semaphore, #tpu.memory_space<semaphore_mem>>)
    %slice3A_298 = vector.extract_strided_slice %get3A_3 {offsets = [13], sizes = [1], strides = [1]} : vector<16xi32> to vector<1xi32>
    %squeeze3A_299 = vector.extract %slice3A_298[0] : i32 from vector<1xi32>
    %and3A_300 = arith.constant -128 : i32
    %and3A_301 = arith.andi %squeeze3A_299, %and3A_300 : i32
    %multiple_of3A_302 = tpu.assume_multiple %and3A_301, 128 : i32
    %dma_start3A_303 = arith.constant 0 : i32
    %dma_start3A_304 = arith.constant 13 : i32
    %dma_start3A_305 = arith.constant 0 : i32
    %dma_start3A_306 = arith.constant 0 : i32
    %dma_start3A_307 = arith.constant 0 : i32
    %dma_start3A_308 = tpu.memref_slice %arg6[%dma_start3A_303, %dma_start3A_304, %dma_start3A_305, %dma_start3A_306, %dma_start3A_307] : memref<2x16x2x8x128xf32, #tpu.memory_space<vmem>> -> memref<1x1x2x8x128xf32, #tpu.memory_space<vmem>>
    %dma_start3A_309 = tpu.memref_squeeze %dma_start3A_308 : memref<1x1x2x8x128xf32, #tpu.memory_space<vmem>> -> memref<2x8x128xf32, #tpu.memory_space<vmem>>
    %dma_start3A_310 = arith.constant 0 : i32
    %dma_start3A_311 = arith.constant 0 : i32
    %dma_start3A_312 = tpu.memref_slice %arg3[%dma_start3A_310, %dma_start3A_311, %multiple_of3A_302] : memref<2x8x1000000xf32, #tpu.memory_space<hbm>> -> memref<2x8x128xf32, #tpu.memory_space<hbm>>
    %dma_start3A_313 = arith.constant 0 : i32
    %dma_start3A_314 = arith.constant 0 : i32
    %dma_start3A_315 = arith.constant 0 : i32
    %dma_start3A_316 = tpu.memref_slice %arg6[%dma_start3A_303, %dma_start3A_304, %dma_start3A_313, %dma_start3A_314, %dma_start3A_315] : memref<2x16x2x8x128xf32, #tpu.memory_space<vmem>> -> memref<1x1x2x8x128xf32, #tpu.memory_space<vmem>>
    %dma_start3A_317 = tpu.memref_squeeze %dma_start3A_316 : memref<1x1x2x8x128xf32, #tpu.memory_space<vmem>> -> memref<2x8x128xf32, #tpu.memory_space<vmem>>
    %dma_start3A_318 = arith.constant 0 : i32
    %dma_start3A_319 = arith.constant 0 : i32
    %dma_start3A_320 = tpu.memref_slice %arg3[%dma_start3A_318, %dma_start3A_319, %multiple_of3A_302] : memref<2x8x1000000xf32, #tpu.memory_space<hbm>> -> memref<2x8x128xf32, #tpu.memory_space<hbm>>
    tpu.enqueue_dma source(%dma_start3A_320 : memref<2x8x128xf32, #tpu.memory_space<hbm>>) target(%dma_start3A_317 : memref<2x8x128xf32, #tpu.memory_space<vmem>>) target_semaphore(%arg8 : memref<!tpu.dma_semaphore, #tpu.memory_space<semaphore_mem>>)
    %slice3A_321 = vector.extract_strided_slice %get3A_3 {offsets = [14], sizes = [1], strides = [1]} : vector<16xi32> to vector<1xi32>
    %squeeze3A_322 = vector.extract %slice3A_321[0] : i32 from vector<1xi32>
    %and3A_323 = arith.constant -128 : i32
    %and3A_324 = arith.andi %squeeze3A_322, %and3A_323 : i32
    %multiple_of3A_325 = tpu.assume_multiple %and3A_324, 128 : i32
    %dma_start3A_326 = arith.constant 0 : i32
    %dma_start3A_327 = arith.constant 14 : i32
    %dma_start3A_328 = arith.constant 0 : i32
    %dma_start3A_329 = arith.constant 0 : i32
    %dma_start3A_330 = arith.constant 0 : i32
    %dma_start3A_331 = tpu.memref_slice %arg6[%dma_start3A_326, %dma_start3A_327, %dma_start3A_328, %dma_start3A_329, %dma_start3A_330] : memref<2x16x2x8x128xf32, #tpu.memory_space<vmem>> -> memref<1x1x2x8x128xf32, #tpu.memory_space<vmem>>
    %dma_start3A_332 = tpu.memref_squeeze %dma_start3A_331 : memref<1x1x2x8x128xf32, #tpu.memory_space<vmem>> -> memref<2x8x128xf32, #tpu.memory_space<vmem>>
    %dma_start3A_333 = arith.constant 0 : i32
    %dma_start3A_334 = arith.constant 0 : i32
    %dma_start3A_335 = tpu.memref_slice %arg3[%dma_start3A_333, %dma_start3A_334, %multiple_of3A_325] : memref<2x8x1000000xf32, #tpu.memory_space<hbm>> -> memref<2x8x128xf32, #tpu.memory_space<hbm>>
    %dma_start3A_336 = arith.constant 0 : i32
    %dma_start3A_337 = arith.constant 0 : i32
    %dma_start3A_338 = arith.constant 0 : i32
    %dma_start3A_339 = tpu.memref_slice %arg6[%dma_start3A_326, %dma_start3A_327, %dma_start3A_336, %dma_start3A_337, %dma_start3A_338] : memref<2x16x2x8x128xf32, #tpu.memory_space<vmem>> -> memref<1x1x2x8x128xf32, #tpu.memory_space<vmem>>
    %dma_start3A_340 = tpu.memref_squeeze %dma_start3A_339 : memref<1x1x2x8x128xf32, #tpu.memory_space<vmem>> -> memref<2x8x128xf32, #tpu.memory_space<vmem>>
    %dma_start3A_341 = arith.constant 0 : i32
    %dma_start3A_342 = arith.constant 0 : i32
    %dma_start3A_343 = tpu.memref_slice %arg3[%dma_start3A_341, %dma_start3A_342, %multiple_of3A_325] : memref<2x8x1000000xf32, #tpu.memory_space<hbm>> -> memref<2x8x128xf32, #tpu.memory_space<hbm>>
    tpu.enqueue_dma source(%dma_start3A_343 : memref<2x8x128xf32, #tpu.memory_space<hbm>>) target(%dma_start3A_340 : memref<2x8x128xf32, #tpu.memory_space<vmem>>) target_semaphore(%arg8 : memref<!tpu.dma_semaphore, #tpu.memory_space<semaphore_mem>>)
    %slice3A_344 = vector.extract_strided_slice %get3A_3 {offsets = [15], sizes = [1], strides = [1]} : vector<16xi32> to vector<1xi32>
    %squeeze3A_345 = vector.extract %slice3A_344[0] : i32 from vector<1xi32>
    %and3A_346 = arith.constant -128 : i32
    %and3A_347 = arith.andi %squeeze3A_345, %and3A_346 : i32
    %multiple_of3A_348 = tpu.assume_multiple %and3A_347, 128 : i32
    %dma_start3A_349 = arith.constant 0 : i32
    %dma_start3A_350 = arith.constant 15 : i32
    %dma_start3A_351 = arith.constant 0 : i32
    %dma_start3A_352 = arith.constant 0 : i32
    %dma_start3A_353 = arith.constant 0 : i32
    %dma_start3A_354 = tpu.memref_slice %arg6[%dma_start3A_349, %dma_start3A_350, %dma_start3A_351, %dma_start3A_352, %dma_start3A_353] : memref<2x16x2x8x128xf32, #tpu.memory_space<vmem>> -> memref<1x1x2x8x128xf32, #tpu.memory_space<vmem>>
    %dma_start3A_355 = tpu.memref_squeeze %dma_start3A_354 : memref<1x1x2x8x128xf32, #tpu.memory_space<vmem>> -> memref<2x8x128xf32, #tpu.memory_space<vmem>>
    %dma_start3A_356 = arith.constant 0 : i32
    %dma_start3A_357 = arith.constant 0 : i32
    %dma_start3A_358 = tpu.memref_slice %arg3[%dma_start3A_356, %dma_start3A_357, %multiple_of3A_348] : memref<2x8x1000000xf32, #tpu.memory_space<hbm>> -> memref<2x8x128xf32, #tpu.memory_space<hbm>>
    %dma_start3A_359 = arith.constant 0 : i32
    %dma_start3A_360 = arith.constant 0 : i32
    %dma_start3A_361 = arith.constant 0 : i32
    %dma_start3A_362 = tpu.memref_slice %arg6[%dma_start3A_349, %dma_start3A_350, %dma_start3A_359, %dma_start3A_360, %dma_start3A_361] : memref<2x16x2x8x128xf32, #tpu.memory_space<vmem>> -> memref<1x1x2x8x128xf32, #tpu.memory_space<vmem>>
    %dma_start3A_363 = tpu.memref_squeeze %dma_start3A_362 : memref<1x1x2x8x128xf32, #tpu.memory_space<vmem>> -> memref<2x8x128xf32, #tpu.memory_space<vmem>>
    %dma_start3A_364 = arith.constant 0 : i32
    %dma_start3A_365 = arith.constant 0 : i32
    %dma_start3A_366 = tpu.memref_slice %arg3[%dma_start3A_364, %dma_start3A_365, %multiple_of3A_348] : memref<2x8x1000000xf32, #tpu.memory_space<hbm>> -> memref<2x8x128xf32, #tpu.memory_space<hbm>>
    tpu.enqueue_dma source(%dma_start3A_366 : memref<2x8x128xf32, #tpu.memory_space<hbm>>) target(%dma_start3A_363 : memref<2x8x128xf32, #tpu.memory_space<vmem>>) target_semaphore(%arg8 : memref<!tpu.dma_semaphore, #tpu.memory_space<semaphore_mem>>)
    %scan3A = arith.constant 0 : i32
    %scan3A_367 = arith.constant 32 : i32
    %scan3A_368 = arith.addi %scan3A, %scan3A_367 : i32
    %scan3A_369 = arith.constant 1 : i32
    scf.for %scan3A_371 = %scan3A to %scan3A_368 step %scan3A_369  : i32 {
      %mul3A_372 = arith.constant 1 : i32
      %mul3A_373 = arith.muli %scan3A_371, %mul3A_372 : i32
      %add3A_374 = arith.constant 0 : i32
      %add3A_375 = arith.addi %add3A_374, %mul3A_373 : i32
      %lt3A = arith.constant 31 : i32
      %lt3A_376 = arith.cmpi slt, %add3A_375, %lt3A : i32
      %convert_element_type3A = arith.extui %lt3A_376 : i1 to i32
      %cond3A = arith.constant 0 : i32
      %cond3A_377 = arith.cmpi ne, %convert_element_type3A, %cond3A : i32
      scf.if %cond3A_377 {
        %add3A_942 = arith.constant 1 : i32
        %add3A_943 = arith.addi %add3A_375, %add3A_942 : i32
        %add3A_944 = arith.constant 1 : i32
        %add3A_945 = arith.addi %add3A_375, %add3A_944 : i32
        %jit3A_946 = arith.constant 2 : i32
        %eq3A_947 = arith.constant 0 : i32
        %eq3A_948 = arith.cmpi eq, %jit3A_946, %eq3A_947 : i32
        %jit3A_949 = arith.constant 1 : i32
        %select_n3A_950 = arith.select %eq3A_948, %jit3A_949, %jit3A_946 : i32
        %rem3A_951 = arith.remsi %add3A_945, %select_n3A_950 : i32
        %ne3A_952 = arith.constant 0 : i32
        %ne3A_953 = arith.cmpi ne, %rem3A_951, %ne3A_952 : i32
        %lt3A_954 = arith.constant 0 : i32
        %lt3A_955 = arith.cmpi slt, %rem3A_951, %lt3A_954 : i32
        %lt3A_956 = arith.constant 0 : i32
        %lt3A_957 = arith.cmpi slt, %select_n3A_950, %lt3A_956 : i32
        %ne3A_958 = arith.xori %lt3A_955, %lt3A_957 : i1
        %and3A_959 = arith.andi %ne3A_958, %ne3A_953 : i1
        %add3A_960 = arith.addi %rem3A_951, %select_n3A_950 : i32
        %select_n3A_961 = arith.select %and3A_959, %add3A_960, %rem3A_951 : i32
        %mul3A_962 = arith.constant 16 : i32
        %mul3A_963 = arith.muli %add3A_943, %mul3A_962 : i32
        %add3A_964 = arith.constant 0 : i32
        %add3A_965 = arith.addi %mul3A_963, %add3A_964 : i32
        %get3A_966 = arith.index_cast %add3A_965 : i32 to index
        %get3A_967 = tpu.vector_load %arg5[%get3A_966] {strides = array<i32>} : memref<512xi32, #tpu.memory_space<vmem>>, vector<16xi32>,
        %slice3A_968 = vector.extract_strided_slice %get3A_967 {offsets = [0], sizes = [1], strides = [1]} : vector<16xi32> to vector<1xi32>
        %squeeze3A_969 = vector.extract %slice3A_968[0] : i32 from vector<1xi32>
        %and3A_970 = arith.constant -128 : i32
        %and3A_971 = arith.andi %squeeze3A_969, %and3A_970 : i32
        %multiple_of3A_972 = tpu.assume_multiple %and3A_971, 128 : i32
        %dma_start3A_973 = arith.constant 0 : i32
        %dma_start3A_974 = arith.constant 0 : i32
        %dma_start3A_975 = arith.constant 0 : i32
        %dma_start3A_976 = arith.constant 0 : i32
        %dma_start3A_977 = tpu.memref_slice %arg6[%select_n3A_961, %dma_start3A_973, %dma_start3A_974, %dma_start3A_975, %dma_start3A_976] : memref<2x16x2x8x128xf32, #tpu.memory_space<vmem>> -> memref<1x1x2x8x128xf32, #tpu.memory_space<vmem>>
        %dma_start3A_978 = tpu.memref_squeeze %dma_start3A_977 : memref<1x1x2x8x128xf32, #tpu.memory_space<vmem>> -> memref<2x8x128xf32, #tpu.memory_space<vmem>>
        %dma_start3A_979 = arith.constant 0 : i32
        %dma_start3A_980 = arith.constant 0 : i32
        %dma_start3A_981 = tpu.memref_slice %arg3[%dma_start3A_979, %dma_start3A_980, %multiple_of3A_972] : memref<2x8x1000000xf32, #tpu.memory_space<hbm>> -> memref<2x8x128xf32, #tpu.memory_space<hbm>>
        %dma_start3A_982 = arith.constant 0 : i32
        %dma_start3A_983 = arith.constant 0 : i32
        %dma_start3A_984 = arith.constant 0 : i32
        %dma_start3A_985 = tpu.memref_slice %arg6[%select_n3A_961, %dma_start3A_973, %dma_start3A_982, %dma_start3A_983, %dma_start3A_984] : memref<2x16x2x8x128xf32, #tpu.memory_space<vmem>> -> memref<1x1x2x8x128xf32, #tpu.memory_space<vmem>>
        %dma_start3A_986 = tpu.memref_squeeze %dma_start3A_985 : memref<1x1x2x8x128xf32, #tpu.memory_space<vmem>> -> memref<2x8x128xf32, #tpu.memory_space<vmem>>
        %dma_start3A_987 = arith.constant 0 : i32
        %dma_start3A_988 = arith.constant 0 : i32
        %dma_start3A_989 = tpu.memref_slice %arg3[%dma_start3A_987, %dma_start3A_988, %multiple_of3A_972] : memref<2x8x1000000xf32, #tpu.memory_space<hbm>> -> memref<2x8x128xf32, #tpu.memory_space<hbm>>
        tpu.enqueue_dma source(%dma_start3A_989 : memref<2x8x128xf32, #tpu.memory_space<hbm>>) target(%dma_start3A_986 : memref<2x8x128xf32, #tpu.memory_space<vmem>>) target_semaphore(%arg8 : memref<!tpu.dma_semaphore, #tpu.memory_space<semaphore_mem>>)
        %slice3A_990 = vector.extract_strided_slice %get3A_967 {offsets = [1], sizes = [1], strides = [1]} : vector<16xi32> to vector<1xi32>
        %squeeze3A_991 = vector.extract %slice3A_990[0] : i32 from vector<1xi32>
        %and3A_992 = arith.constant -128 : i32
        %and3A_993 = arith.andi %squeeze3A_991, %and3A_992 : i32
        %multiple_of3A_994 = tpu.assume_multiple %and3A_993, 128 : i32
        %dma_start3A_995 = arith.constant 1 : i32
        %dma_start3A_996 = arith.constant 0 : i32
        %dma_start3A_997 = arith.constant 0 : i32
        %dma_start3A_998 = arith.constant 0 : i32
        %dma_start3A_999 = tpu.memref_slice %arg6[%select_n3A_961, %dma_start3A_995, %dma_start3A_996, %dma_start3A_997, %dma_start3A_998] : memref<2x16x2x8x128xf32, #tpu.memory_space<vmem>> -> memref<1x1x2x8x128xf32, #tpu.memory_space<vmem>>
        %dma_start3A_1000 = tpu.memref_squeeze %dma_start3A_999 : memref<1x1x2x8x128xf32, #tpu.memory_space<vmem>> -> memref<2x8x128xf32, #tpu.memory_space<vmem>>
        %dma_start3A_1001 = arith.constant 0 : i32
        %dma_start3A_1002 = arith.constant 0 : i32
        %dma_start3A_1003 = tpu.memref_slice %arg3[%dma_start3A_1001, %dma_start3A_1002, %multiple_of3A_994] : memref<2x8x1000000xf32, #tpu.memory_space<hbm>> -> memref<2x8x128xf32, #tpu.memory_space<hbm>>
        %dma_start3A_1004 = arith.constant 0 : i32
        %dma_start3A_1005 = arith.constant 0 : i32
        %dma_start3A_1006 = arith.constant 0 : i32
        %dma_start3A_1007 = tpu.memref_slice %arg6[%select_n3A_961, %dma_start3A_995, %dma_start3A_1004, %dma_start3A_1005, %dma_start3A_1006] : memref<2x16x2x8x128xf32, #tpu.memory_space<vmem>> -> memref<1x1x2x8x128xf32, #tpu.memory_space<vmem>>
        %dma_start3A_1008 = tpu.memref_squeeze %dma_start3A_1007 : memref<1x1x2x8x128xf32, #tpu.memory_space<vmem>> -> memref<2x8x128xf32, #tpu.memory_space<vmem>>
        %dma_start3A_1009 = arith.constant 0 : i32
        %dma_start3A_1010 = arith.constant 0 : i32
        %dma_start3A_1011 = tpu.memref_slice %arg3[%dma_start3A_1009, %dma_start3A_1010, %multiple_of3A_994] : memref<2x8x1000000xf32, #tpu.memory_space<hbm>> -> memref<2x8x128xf32, #tpu.memory_space<hbm>>
        tpu.enqueue_dma source(%dma_start3A_1011 : memref<2x8x128xf32, #tpu.memory_space<hbm>>) target(%dma_start3A_1008 : memref<2x8x128xf32, #tpu.memory_space<vmem>>) target_semaphore(%arg8 : memref<!tpu.dma_semaphore, #tpu.memory_space<semaphore_mem>>)
        %slice3A_1012 = vector.extract_strided_slice %get3A_967 {offsets = [2], sizes = [1], strides = [1]} : vector<16xi32> to vector<1xi32>
        %squeeze3A_1013 = vector.extract %slice3A_1012[0] : i32 from vector<1xi32>
        %and3A_1014 = arith.constant -128 : i32
        %and3A_1015 = arith.andi %squeeze3A_1013, %and3A_1014 : i32
        %multiple_of3A_1016 = tpu.assume_multiple %and3A_1015, 128 : i32
        %dma_start3A_1017 = arith.constant 2 : i32
        %dma_start3A_1018 = arith.constant 0 : i32
        %dma_start3A_1019 = arith.constant 0 : i32
        %dma_start3A_1020 = arith.constant 0 : i32
        %dma_start3A_1021 = tpu.memref_slice %arg6[%select_n3A_961, %dma_start3A_1017, %dma_start3A_1018, %dma_start3A_1019, %dma_start3A_1020] : memref<2x16x2x8x128xf32, #tpu.memory_space<vmem>> -> memref<1x1x2x8x128xf32, #tpu.memory_space<vmem>>
        %dma_start3A_1022 = tpu.memref_squeeze %dma_start3A_1021 : memref<1x1x2x8x128xf32, #tpu.memory_space<vmem>> -> memref<2x8x128xf32, #tpu.memory_space<vmem>>
        %dma_start3A_1023 = arith.constant 0 : i32
        %dma_start3A_1024 = arith.constant 0 : i32
        %dma_start3A_1025 = tpu.memref_slice %arg3[%dma_start3A_1023, %dma_start3A_1024, %multiple_of3A_1016] : memref<2x8x1000000xf32, #tpu.memory_space<hbm>> -> memref<2x8x128xf32, #tpu.memory_space<hbm>>
        %dma_start3A_1026 = arith.constant 0 : i32
        %dma_start3A_1027 = arith.constant 0 : i32
        %dma_start3A_1028 = arith.constant 0 : i32
        %dma_start3A_1029 = tpu.memref_slice %arg6[%select_n3A_961, %dma_start3A_1017, %dma_start3A_1026, %dma_start3A_1027, %dma_start3A_1028] : memref<2x16x2x8x128xf32, #tpu.memory_space<vmem>> -> memref<1x1x2x8x128xf32, #tpu.memory_space<vmem>>
        %dma_start3A_1030 = tpu.memref_squeeze %dma_start3A_1029 : memref<1x1x2x8x128xf32, #tpu.memory_space<vmem>> -> memref<2x8x128xf32, #tpu.memory_space<vmem>>
        %dma_start3A_1031 = arith.constant 0 : i32
        %dma_start3A_1032 = arith.constant 0 : i32
        %dma_start3A_1033 = tpu.memref_slice %arg3[%dma_start3A_1031, %dma_start3A_1032, %multiple_of3A_1016] : memref<2x8x1000000xf32, #tpu.memory_space<hbm>> -> memref<2x8x128xf32, #tpu.memory_space<hbm>>
        tpu.enqueue_dma source(%dma_start3A_1033 : memref<2x8x128xf32, #tpu.memory_space<hbm>>) target(%dma_start3A_1030 : memref<2x8x128xf32, #tpu.memory_space<vmem>>) target_semaphore(%arg8 : memref<!tpu.dma_semaphore, #tpu.memory_space<semaphore_mem>>)
        %slice3A_1034 = vector.extract_strided_slice %get3A_967 {offsets = [3], sizes = [1], strides = [1]} : vector<16xi32> to vector<1xi32>
        %squeeze3A_1035 = vector.extract %slice3A_1034[0] : i32 from vector<1xi32>
        %and3A_1036 = arith.constant -128 : i32
        %and3A_1037 = arith.andi %squeeze3A_1035, %and3A_1036 : i32
        %multiple_of3A_1038 = tpu.assume_multiple %and3A_1037, 128 : i32
        %dma_start3A_1039 = arith.constant 3 : i32
        %dma_start3A_1040 = arith.constant 0 : i32
        %dma_start3A_1041 = arith.constant 0 : i32
        %dma_start3A_1042 = arith.constant 0 : i32
        %dma_start3A_1043 = tpu.memref_slice %arg6[%select_n3A_961, %dma_start3A_1039, %dma_start3A_1040, %dma_start3A_1041, %dma_start3A_1042] : memref<2x16x2x8x128xf32, #tpu.memory_space<vmem>> -> memref<1x1x2x8x128xf32, #tpu.memory_space<vmem>>
        %dma_start3A_1044 = tpu.memref_squeeze %dma_start3A_1043 : memref<1x1x2x8x128xf32, #tpu.memory_space<vmem>> -> memref<2x8x128xf32, #tpu.memory_space<vmem>>
        %dma_start3A_1045 = arith.constant 0 : i32
        %dma_start3A_1046 = arith.constant 0 : i32
        %dma_start3A_1047 = tpu.memref_slice %arg3[%dma_start3A_1045, %dma_start3A_1046, %multiple_of3A_1038] : memref<2x8x1000000xf32, #tpu.memory_space<hbm>> -> memref<2x8x128xf32, #tpu.memory_space<hbm>>
        %dma_start3A_1048 = arith.constant 0 : i32
        %dma_start3A_1049 = arith.constant 0 : i32
        %dma_start3A_1050 = arith.constant 0 : i32
        %dma_start3A_1051 = tpu.memref_slice %arg6[%select_n3A_961, %dma_start3A_1039, %dma_start3A_1048, %dma_start3A_1049, %dma_start3A_1050] : memref<2x16x2x8x128xf32, #tpu.memory_space<vmem>> -> memref<1x1x2x8x128xf32, #tpu.memory_space<vmem>>
        %dma_start3A_1052 = tpu.memref_squeeze %dma_start3A_1051 : memref<1x1x2x8x128xf32, #tpu.memory_space<vmem>> -> memref<2x8x128xf32, #tpu.memory_space<vmem>>
        %dma_start3A_1053 = arith.constant 0 : i32
        %dma_start3A_1054 = arith.constant 0 : i32
        %dma_start3A_1055 = tpu.memref_slice %arg3[%dma_start3A_1053, %dma_start3A_1054, %multiple_of3A_1038] : memref<2x8x1000000xf32, #tpu.memory_space<hbm>> -> memref<2x8x128xf32, #tpu.memory_space<hbm>>
        tpu.enqueue_dma source(%dma_start3A_1055 : memref<2x8x128xf32, #tpu.memory_space<hbm>>) target(%dma_start3A_1052 : memref<2x8x128xf32, #tpu.memory_space<vmem>>) target_semaphore(%arg8 : memref<!tpu.dma_semaphore, #tpu.memory_space<semaphore_mem>>)
        %slice3A_1056 = vector.extract_strided_slice %get3A_967 {offsets = [4], sizes = [1], strides = [1]} : vector<16xi32> to vector<1xi32>
        %squeeze3A_1057 = vector.extract %slice3A_1056[0] : i32 from vector<1xi32>
        %and3A_1058 = arith.constant -128 : i32
        %and3A_1059 = arith.andi %squeeze3A_1057, %and3A_1058 : i32
        %multiple_of3A_1060 = tpu.assume_multiple %and3A_1059, 128 : i32
        %dma_start3A_1061 = arith.constant 4 : i32
        %dma_start3A_1062 = arith.constant 0 : i32
        %dma_start3A_1063 = arith.constant 0 : i32
        %dma_start3A_1064 = arith.constant 0 : i32
        %dma_start3A_1065 = tpu.memref_slice %arg6[%select_n3A_961, %dma_start3A_1061, %dma_start3A_1062, %dma_start3A_1063, %dma_start3A_1064] : memref<2x16x2x8x128xf32, #tpu.memory_space<vmem>> -> memref<1x1x2x8x128xf32, #tpu.memory_space<vmem>>
        %dma_start3A_1066 = tpu.memref_squeeze %dma_start3A_1065 : memref<1x1x2x8x128xf32, #tpu.memory_space<vmem>> -> memref<2x8x128xf32, #tpu.memory_space<vmem>>
        %dma_start3A_1067 = arith.constant 0 : i32
        %dma_start3A_1068 = arith.constant 0 : i32
        %dma_start3A_1069 = tpu.memref_slice %arg3[%dma_start3A_1067, %dma_start3A_1068, %multiple_of3A_1060] : memref<2x8x1000000xf32, #tpu.memory_space<hbm>> -> memref<2x8x128xf32, #tpu.memory_space<hbm>>
        %dma_start3A_1070 = arith.constant 0 : i32
        %dma_start3A_1071 = arith.constant 0 : i32
        %dma_start3A_1072 = arith.constant 0 : i32
        %dma_start3A_1073 = tpu.memref_slice %arg6[%select_n3A_961, %dma_start3A_1061, %dma_start3A_1070, %dma_start3A_1071, %dma_start3A_1072] : memref<2x16x2x8x128xf32, #tpu.memory_space<vmem>> -> memref<1x1x2x8x128xf32, #tpu.memory_space<vmem>>
        %dma_start3A_1074 = tpu.memref_squeeze %dma_start3A_1073 : memref<1x1x2x8x128xf32, #tpu.memory_space<vmem>> -> memref<2x8x128xf32, #tpu.memory_space<vmem>>
        %dma_start3A_1075 = arith.constant 0 : i32
        %dma_start3A_1076 = arith.constant 0 : i32
        %dma_start3A_1077 = tpu.memref_slice %arg3[%dma_start3A_1075, %dma_start3A_1076, %multiple_of3A_1060] : memref<2x8x1000000xf32, #tpu.memory_space<hbm>> -> memref<2x8x128xf32, #tpu.memory_space<hbm>>
        tpu.enqueue_dma source(%dma_start3A_1077 : memref<2x8x128xf32, #tpu.memory_space<hbm>>) target(%dma_start3A_1074 : memref<2x8x128xf32, #tpu.memory_space<vmem>>) target_semaphore(%arg8 : memref<!tpu.dma_semaphore, #tpu.memory_space<semaphore_mem>>)
        %slice3A_1078 = vector.extract_strided_slice %get3A_967 {offsets = [5], sizes = [1], strides = [1]} : vector<16xi32> to vector<1xi32>
        %squeeze3A_1079 = vector.extract %slice3A_1078[0] : i32 from vector<1xi32>
        %and3A_1080 = arith.constant -128 : i32
        %and3A_1081 = arith.andi %squeeze3A_1079, %and3A_1080 : i32
        %multiple_of3A_1082 = tpu.assume_multiple %and3A_1081, 128 : i32
        %dma_start3A_1083 = arith.constant 5 : i32
        %dma_start3A_1084 = arith.constant 0 : i32
        %dma_start3A_1085 = arith.constant 0 : i32
        %dma_start3A_1086 = arith.constant 0 : i32
        %dma_start3A_1087 = tpu.memref_slice %arg6[%select_n3A_961, %dma_start3A_1083, %dma_start3A_1084, %dma_start3A_1085, %dma_start3A_1086] : memref<2x16x2x8x128xf32, #tpu.memory_space<vmem>> -> memref<1x1x2x8x128xf32, #tpu.memory_space<vmem>>
        %dma_start3A_1088 = tpu.memref_squeeze %dma_start3A_1087 : memref<1x1x2x8x128xf32, #tpu.memory_space<vmem>> -> memref<2x8x128xf32, #tpu.memory_space<vmem>>
        %dma_start3A_1089 = arith.constant 0 : i32
        %dma_start3A_1090 = arith.constant 0 : i32
        %dma_start3A_1091 = tpu.memref_slice %arg3[%dma_start3A_1089, %dma_start3A_1090, %multiple_of3A_1082] : memref<2x8x1000000xf32, #tpu.memory_space<hbm>> -> memref<2x8x128xf32, #tpu.memory_space<hbm>>
        %dma_start3A_1092 = arith.constant 0 : i32
        %dma_start3A_1093 = arith.constant 0 : i32
        %dma_start3A_1094 = arith.constant 0 : i32
        %dma_start3A_1095 = tpu.memref_slice %arg6[%select_n3A_961, %dma_start3A_1083, %dma_start3A_1092, %dma_start3A_1093, %dma_start3A_1094] : memref<2x16x2x8x128xf32, #tpu.memory_space<vmem>> -> memref<1x1x2x8x128xf32, #tpu.memory_space<vmem>>
        %dma_start3A_1096 = tpu.memref_squeeze %dma_start3A_1095 : memref<1x1x2x8x128xf32, #tpu.memory_space<vmem>> -> memref<2x8x128xf32, #tpu.memory_space<vmem>>
        %dma_start3A_1097 = arith.constant 0 : i32
        %dma_start3A_1098 = arith.constant 0 : i32
        %dma_start3A_1099 = tpu.memref_slice %arg3[%dma_start3A_1097, %dma_start3A_1098, %multiple_of3A_1082] : memref<2x8x1000000xf32, #tpu.memory_space<hbm>> -> memref<2x8x128xf32, #tpu.memory_space<hbm>>
        tpu.enqueue_dma source(%dma_start3A_1099 : memref<2x8x128xf32, #tpu.memory_space<hbm>>) target(%dma_start3A_1096 : memref<2x8x128xf32, #tpu.memory_space<vmem>>) target_semaphore(%arg8 : memref<!tpu.dma_semaphore, #tpu.memory_space<semaphore_mem>>)
        %slice3A_1100 = vector.extract_strided_slice %get3A_967 {offsets = [6], sizes = [1], strides = [1]} : vector<16xi32> to vector<1xi32>
        %squeeze3A_1101 = vector.extract %slice3A_1100[0] : i32 from vector<1xi32>
        %and3A_1102 = arith.constant -128 : i32
        %and3A_1103 = arith.andi %squeeze3A_1101, %and3A_1102 : i32
        %multiple_of3A_1104 = tpu.assume_multiple %and3A_1103, 128 : i32
        %dma_start3A_1105 = arith.constant 6 : i32
        %dma_start3A_1106 = arith.constant 0 : i32
        %dma_start3A_1107 = arith.constant 0 : i32
        %dma_start3A_1108 = arith.constant 0 : i32
        %dma_start3A_1109 = tpu.memref_slice %arg6[%select_n3A_961, %dma_start3A_1105, %dma_start3A_1106, %dma_start3A_1107, %dma_start3A_1108] : memref<2x16x2x8x128xf32, #tpu.memory_space<vmem>> -> memref<1x1x2x8x128xf32, #tpu.memory_space<vmem>>
        %dma_start3A_1110 = tpu.memref_squeeze %dma_start3A_1109 : memref<1x1x2x8x128xf32, #tpu.memory_space<vmem>> -> memref<2x8x128xf32, #tpu.memory_space<vmem>>
        %dma_start3A_1111 = arith.constant 0 : i32
        %dma_start3A_1112 = arith.constant 0 : i32
        %dma_start3A_1113 = tpu.memref_slice %arg3[%dma_start3A_1111, %dma_start3A_1112, %multiple_of3A_1104] : memref<2x8x1000000xf32, #tpu.memory_space<hbm>> -> memref<2x8x128xf32, #tpu.memory_space<hbm>>
        %dma_start3A_1114 = arith.constant 0 : i32
        %dma_start3A_1115 = arith.constant 0 : i32
        %dma_start3A_1116 = arith.constant 0 : i32
        %dma_start3A_1117 = tpu.memref_slice %arg6[%select_n3A_961, %dma_start3A_1105, %dma_start3A_1114, %dma_start3A_1115, %dma_start3A_1116] : memref<2x16x2x8x128xf32, #tpu.memory_space<vmem>> -> memref<1x1x2x8x128xf32, #tpu.memory_space<vmem>>
        %dma_start3A_1118 = tpu.memref_squeeze %dma_start3A_1117 : memref<1x1x2x8x128xf32, #tpu.memory_space<vmem>> -> memref<2x8x128xf32, #tpu.memory_space<vmem>>
        %dma_start3A_1119 = arith.constant 0 : i32
        %dma_start3A_1120 = arith.constant 0 : i32
        %dma_start3A_1121 = tpu.memref_slice %arg3[%dma_start3A_1119, %dma_start3A_1120, %multiple_of3A_1104] : memref<2x8x1000000xf32, #tpu.memory_space<hbm>> -> memref<2x8x128xf32, #tpu.memory_space<hbm>>
        tpu.enqueue_dma source(%dma_start3A_1121 : memref<2x8x128xf32, #tpu.memory_space<hbm>>) target(%dma_start3A_1118 : memref<2x8x128xf32, #tpu.memory_space<vmem>>) target_semaphore(%arg8 : memref<!tpu.dma_semaphore, #tpu.memory_space<semaphore_mem>>)
        %slice3A_1122 = vector.extract_strided_slice %get3A_967 {offsets = [7], sizes = [1], strides = [1]} : vector<16xi32> to vector<1xi32>
        %squeeze3A_1123 = vector.extract %slice3A_1122[0] : i32 from vector<1xi32>
        %and3A_1124 = arith.constant -128 : i32
        %and3A_1125 = arith.andi %squeeze3A_1123, %and3A_1124 : i32
        %multiple_of3A_1126 = tpu.assume_multiple %and3A_1125, 128 : i32
        %dma_start3A_1127 = arith.constant 7 : i32
        %dma_start3A_1128 = arith.constant 0 : i32
        %dma_start3A_1129 = arith.constant 0 : i32
        %dma_start3A_1130 = arith.constant 0 : i32
        %dma_start3A_1131 = tpu.memref_slice %arg6[%select_n3A_961, %dma_start3A_1127, %dma_start3A_1128, %dma_start3A_1129, %dma_start3A_1130] : memref<2x16x2x8x128xf32, #tpu.memory_space<vmem>> -> memref<1x1x2x8x128xf32, #tpu.memory_space<vmem>>
        %dma_start3A_1132 = tpu.memref_squeeze %dma_start3A_1131 : memref<1x1x2x8x128xf32, #tpu.memory_space<vmem>> -> memref<2x8x128xf32, #tpu.memory_space<vmem>>
        %dma_start3A_1133 = arith.constant 0 : i32
        %dma_start3A_1134 = arith.constant 0 : i32
        %dma_start3A_1135 = tpu.memref_slice %arg3[%dma_start3A_1133, %dma_start3A_1134, %multiple_of3A_1126] : memref<2x8x1000000xf32, #tpu.memory_space<hbm>> -> memref<2x8x128xf32, #tpu.memory_space<hbm>>
        %dma_start3A_1136 = arith.constant 0 : i32
        %dma_start3A_1137 = arith.constant 0 : i32
        %dma_start3A_1138 = arith.constant 0 : i32
        %dma_start3A_1139 = tpu.memref_slice %arg6[%select_n3A_961, %dma_start3A_1127, %dma_start3A_1136, %dma_start3A_1137, %dma_start3A_1138] : memref<2x16x2x8x128xf32, #tpu.memory_space<vmem>> -> memref<1x1x2x8x128xf32, #tpu.memory_space<vmem>>
        %dma_start3A_1140 = tpu.memref_squeeze %dma_start3A_1139 : memref<1x1x2x8x128xf32, #tpu.memory_space<vmem>> -> memref<2x8x128xf32, #tpu.memory_space<vmem>>
        %dma_start3A_1141 = arith.constant 0 : i32
        %dma_start3A_1142 = arith.constant 0 : i32
        %dma_start3A_1143 = tpu.memref_slice %arg3[%dma_start3A_1141, %dma_start3A_1142, %multiple_of3A_1126] : memref<2x8x1000000xf32, #tpu.memory_space<hbm>> -> memref<2x8x128xf32, #tpu.memory_space<hbm>>
        tpu.enqueue_dma source(%dma_start3A_1143 : memref<2x8x128xf32, #tpu.memory_space<hbm>>) target(%dma_start3A_1140 : memref<2x8x128xf32, #tpu.memory_space<vmem>>) target_semaphore(%arg8 : memref<!tpu.dma_semaphore, #tpu.memory_space<semaphore_mem>>)
        %slice3A_1144 = vector.extract_strided_slice %get3A_967 {offsets = [8], sizes = [1], strides = [1]} : vector<16xi32> to vector<1xi32>
        %squeeze3A_1145 = vector.extract %slice3A_1144[0] : i32 from vector<1xi32>
        %and3A_1146 = arith.constant -128 : i32
        %and3A_1147 = arith.andi %squeeze3A_1145, %and3A_1146 : i32
        %multiple_of3A_1148 = tpu.assume_multiple %and3A_1147, 128 : i32
        %dma_start3A_1149 = arith.constant 8 : i32
        %dma_start3A_1150 = arith.constant 0 : i32
        %dma_start3A_1151 = arith.constant 0 : i32
        %dma_start3A_1152 = arith.constant 0 : i32
        %dma_start3A_1153 = tpu.memref_slice %arg6[%select_n3A_961, %dma_start3A_1149, %dma_start3A_1150, %dma_start3A_1151, %dma_start3A_1152] : memref<2x16x2x8x128xf32, #tpu.memory_space<vmem>> -> memref<1x1x2x8x128xf32, #tpu.memory_space<vmem>>
        %dma_start3A_1154 = tpu.memref_squeeze %dma_start3A_1153 : memref<1x1x2x8x128xf32, #tpu.memory_space<vmem>> -> memref<2x8x128xf32, #tpu.memory_space<vmem>>
        %dma_start3A_1155 = arith.constant 0 : i32
        %dma_start3A_1156 = arith.constant 0 : i32
        %dma_start3A_1157 = tpu.memref_slice %arg3[%dma_start3A_1155, %dma_start3A_1156, %multiple_of3A_1148] : memref<2x8x1000000xf32, #tpu.memory_space<hbm>> -> memref<2x8x128xf32, #tpu.memory_space<hbm>>
        %dma_start3A_1158 = arith.constant 0 : i32
        %dma_start3A_1159 = arith.constant 0 : i32
        %dma_start3A_1160 = arith.constant 0 : i32
        %dma_start3A_1161 = tpu.memref_slice %arg6[%select_n3A_961, %dma_start3A_1149, %dma_start3A_1158, %dma_start3A_1159, %dma_start3A_1160] : memref<2x16x2x8x128xf32, #tpu.memory_space<vmem>> -> memref<1x1x2x8x128xf32, #tpu.memory_space<vmem>>
        %dma_start3A_1162 = tpu.memref_squeeze %dma_start3A_1161 : memref<1x1x2x8x128xf32, #tpu.memory_space<vmem>> -> memref<2x8x128xf32, #tpu.memory_space<vmem>>
        %dma_start3A_1163 = arith.constant 0 : i32
        %dma_start3A_1164 = arith.constant 0 : i32
        %dma_start3A_1165 = tpu.memref_slice %arg3[%dma_start3A_1163, %dma_start3A_1164, %multiple_of3A_1148] : memref<2x8x1000000xf32, #tpu.memory_space<hbm>> -> memref<2x8x128xf32, #tpu.memory_space<hbm>>
        tpu.enqueue_dma source(%dma_start3A_1165 : memref<2x8x128xf32, #tpu.memory_space<hbm>>) target(%dma_start3A_1162 : memref<2x8x128xf32, #tpu.memory_space<vmem>>) target_semaphore(%arg8 : memref<!tpu.dma_semaphore, #tpu.memory_space<semaphore_mem>>)
        %slice3A_1166 = vector.extract_strided_slice %get3A_967 {offsets = [9], sizes = [1], strides = [1]} : vector<16xi32> to vector<1xi32>
        %squeeze3A_1167 = vector.extract %slice3A_1166[0] : i32 from vector<1xi32>
        %and3A_1168 = arith.constant -128 : i32
        %and3A_1169 = arith.andi %squeeze3A_1167, %and3A_1168 : i32
        %multiple_of3A_1170 = tpu.assume_multiple %and3A_1169, 128 : i32
        %dma_start3A_1171 = arith.constant 9 : i32
        %dma_start3A_1172 = arith.constant 0 : i32
        %dma_start3A_1173 = arith.constant 0 : i32
        %dma_start3A_1174 = arith.constant 0 : i32
        %dma_start3A_1175 = tpu.memref_slice %arg6[%select_n3A_961, %dma_start3A_1171, %dma_start3A_1172, %dma_start3A_1173, %dma_start3A_1174] : memref<2x16x2x8x128xf32, #tpu.memory_space<vmem>> -> memref<1x1x2x8x128xf32, #tpu.memory_space<vmem>>
        %dma_start3A_1176 = tpu.memref_squeeze %dma_start3A_1175 : memref<1x1x2x8x128xf32, #tpu.memory_space<vmem>> -> memref<2x8x128xf32, #tpu.memory_space<vmem>>
        %dma_start3A_1177 = arith.constant 0 : i32
        %dma_start3A_1178 = arith.constant 0 : i32
        %dma_start3A_1179 = tpu.memref_slice %arg3[%dma_start3A_1177, %dma_start3A_1178, %multiple_of3A_1170] : memref<2x8x1000000xf32, #tpu.memory_space<hbm>> -> memref<2x8x128xf32, #tpu.memory_space<hbm>>
        %dma_start3A_1180 = arith.constant 0 : i32
        %dma_start3A_1181 = arith.constant 0 : i32
        %dma_start3A_1182 = arith.constant 0 : i32
        %dma_start3A_1183 = tpu.memref_slice %arg6[%select_n3A_961, %dma_start3A_1171, %dma_start3A_1180, %dma_start3A_1181, %dma_start3A_1182] : memref<2x16x2x8x128xf32, #tpu.memory_space<vmem>> -> memref<1x1x2x8x128xf32, #tpu.memory_space<vmem>>
        %dma_start3A_1184 = tpu.memref_squeeze %dma_start3A_1183 : memref<1x1x2x8x128xf32, #tpu.memory_space<vmem>> -> memref<2x8x128xf32, #tpu.memory_space<vmem>>
        %dma_start3A_1185 = arith.constant 0 : i32
        %dma_start3A_1186 = arith.constant 0 : i32
        %dma_start3A_1187 = tpu.memref_slice %arg3[%dma_start3A_1185, %dma_start3A_1186, %multiple_of3A_1170] : memref<2x8x1000000xf32, #tpu.memory_space<hbm>> -> memref<2x8x128xf32, #tpu.memory_space<hbm>>
        tpu.enqueue_dma source(%dma_start3A_1187 : memref<2x8x128xf32, #tpu.memory_space<hbm>>) target(%dma_start3A_1184 : memref<2x8x128xf32, #tpu.memory_space<vmem>>) target_semaphore(%arg8 : memref<!tpu.dma_semaphore, #tpu.memory_space<semaphore_mem>>)
        %slice3A_1188 = vector.extract_strided_slice %get3A_967 {offsets = [10], sizes = [1], strides = [1]} : vector<16xi32> to vector<1xi32>
        %squeeze3A_1189 = vector.extract %slice3A_1188[0] : i32 from vector<1xi32>
        %and3A_1190 = arith.constant -128 : i32
        %and3A_1191 = arith.andi %squeeze3A_1189, %and3A_1190 : i32
        %multiple_of3A_1192 = tpu.assume_multiple %and3A_1191, 128 : i32
        %dma_start3A_1193 = arith.constant 10 : i32
        %dma_start3A_1194 = arith.constant 0 : i32
        %dma_start3A_1195 = arith.constant 0 : i32
        %dma_start3A_1196 = arith.constant 0 : i32
        %dma_start3A_1197 = tpu.memref_slice %arg6[%select_n3A_961, %dma_start3A_1193, %dma_start3A_1194, %dma_start3A_1195, %dma_start3A_1196] : memref<2x16x2x8x128xf32, #tpu.memory_space<vmem>> -> memref<1x1x2x8x128xf32, #tpu.memory_space<vmem>>
        %dma_start3A_1198 = tpu.memref_squeeze %dma_start3A_1197 : memref<1x1x2x8x128xf32, #tpu.memory_space<vmem>> -> memref<2x8x128xf32, #tpu.memory_space<vmem>>
        %dma_start3A_1199 = arith.constant 0 : i32
        %dma_start3A_1200 = arith.constant 0 : i32
        %dma_start3A_1201 = tpu.memref_slice %arg3[%dma_start3A_1199, %dma_start3A_1200, %multiple_of3A_1192] : memref<2x8x1000000xf32, #tpu.memory_space<hbm>> -> memref<2x8x128xf32, #tpu.memory_space<hbm>>
        %dma_start3A_1202 = arith.constant 0 : i32
        %dma_start3A_1203 = arith.constant 0 : i32
        %dma_start3A_1204 = arith.constant 0 : i32
        %dma_start3A_1205 = tpu.memref_slice %arg6[%select_n3A_961, %dma_start3A_1193, %dma_start3A_1202, %dma_start3A_1203, %dma_start3A_1204] : memref<2x16x2x8x128xf32, #tpu.memory_space<vmem>> -> memref<1x1x2x8x128xf32, #tpu.memory_space<vmem>>
        %dma_start3A_1206 = tpu.memref_squeeze %dma_start3A_1205 : memref<1x1x2x8x128xf32, #tpu.memory_space<vmem>> -> memref<2x8x128xf32, #tpu.memory_space<vmem>>
        %dma_start3A_1207 = arith.constant 0 : i32
        %dma_start3A_1208 = arith.constant 0 : i32
        %dma_start3A_1209 = tpu.memref_slice %arg3[%dma_start3A_1207, %dma_start3A_1208, %multiple_of3A_1192] : memref<2x8x1000000xf32, #tpu.memory_space<hbm>> -> memref<2x8x128xf32, #tpu.memory_space<hbm>>
        tpu.enqueue_dma source(%dma_start3A_1209 : memref<2x8x128xf32, #tpu.memory_space<hbm>>) target(%dma_start3A_1206 : memref<2x8x128xf32, #tpu.memory_space<vmem>>) target_semaphore(%arg8 : memref<!tpu.dma_semaphore, #tpu.memory_space<semaphore_mem>>)
        %slice3A_1210 = vector.extract_strided_slice %get3A_967 {offsets = [11], sizes = [1], strides = [1]} : vector<16xi32> to vector<1xi32>
        %squeeze3A_1211 = vector.extract %slice3A_1210[0] : i32 from vector<1xi32>
        %and3A_1212 = arith.constant -128 : i32
        %and3A_1213 = arith.andi %squeeze3A_1211, %and3A_1212 : i32
        %multiple_of3A_1214 = tpu.assume_multiple %and3A_1213, 128 : i32
        %dma_start3A_1215 = arith.constant 11 : i32
        %dma_start3A_1216 = arith.constant 0 : i32
        %dma_start3A_1217 = arith.constant 0 : i32
        %dma_start3A_1218 = arith.constant 0 : i32
        %dma_start3A_1219 = tpu.memref_slice %arg6[%select_n3A_961, %dma_start3A_1215, %dma_start3A_1216, %dma_start3A_1217, %dma_start3A_1218] : memref<2x16x2x8x128xf32, #tpu.memory_space<vmem>> -> memref<1x1x2x8x128xf32, #tpu.memory_space<vmem>>
        %dma_start3A_1220 = tpu.memref_squeeze %dma_start3A_1219 : memref<1x1x2x8x128xf32, #tpu.memory_space<vmem>> -> memref<2x8x128xf32, #tpu.memory_space<vmem>>
        %dma_start3A_1221 = arith.constant 0 : i32
        %dma_start3A_1222 = arith.constant 0 : i32
        %dma_start3A_1223 = tpu.memref_slice %arg3[%dma_start3A_1221, %dma_start3A_1222, %multiple_of3A_1214] : memref<2x8x1000000xf32, #tpu.memory_space<hbm>> -> memref<2x8x128xf32, #tpu.memory_space<hbm>>
        %dma_start3A_1224 = arith.constant 0 : i32
        %dma_start3A_1225 = arith.constant 0 : i32
        %dma_start3A_1226 = arith.constant 0 : i32
        %dma_start3A_1227 = tpu.memref_slice %arg6[%select_n3A_961, %dma_start3A_1215, %dma_start3A_1224, %dma_start3A_1225, %dma_start3A_1226] : memref<2x16x2x8x128xf32, #tpu.memory_space<vmem>> -> memref<1x1x2x8x128xf32, #tpu.memory_space<vmem>>
        %dma_start3A_1228 = tpu.memref_squeeze %dma_start3A_1227 : memref<1x1x2x8x128xf32, #tpu.memory_space<vmem>> -> memref<2x8x128xf32, #tpu.memory_space<vmem>>
        %dma_start3A_1229 = arith.constant 0 : i32
        %dma_start3A_1230 = arith.constant 0 : i32
        %dma_start3A_1231 = tpu.memref_slice %arg3[%dma_start3A_1229, %dma_start3A_1230, %multiple_of3A_1214] : memref<2x8x1000000xf32, #tpu.memory_space<hbm>> -> memref<2x8x128xf32, #tpu.memory_space<hbm>>
        tpu.enqueue_dma source(%dma_start3A_1231 : memref<2x8x128xf32, #tpu.memory_space<hbm>>) target(%dma_start3A_1228 : memref<2x8x128xf32, #tpu.memory_space<vmem>>) target_semaphore(%arg8 : memref<!tpu.dma_semaphore, #tpu.memory_space<semaphore_mem>>)
        %slice3A_1232 = vector.extract_strided_slice %get3A_967 {offsets = [12], sizes = [1], strides = [1]} : vector<16xi32> to vector<1xi32>
        %squeeze3A_1233 = vector.extract %slice3A_1232[0] : i32 from vector<1xi32>
        %and3A_1234 = arith.constant -128 : i32
        %and3A_1235 = arith.andi %squeeze3A_1233, %and3A_1234 : i32
        %multiple_of3A_1236 = tpu.assume_multiple %and3A_1235, 128 : i32
        %dma_start3A_1237 = arith.constant 12 : i32
        %dma_start3A_1238 = arith.constant 0 : i32
        %dma_start3A_1239 = arith.constant 0 : i32
        %dma_start3A_1240 = arith.constant 0 : i32
        %dma_start3A_1241 = tpu.memref_slice %arg6[%select_n3A_961, %dma_start3A_1237, %dma_start3A_1238, %dma_start3A_1239, %dma_start3A_1240] : memref<2x16x2x8x128xf32, #tpu.memory_space<vmem>> -> memref<1x1x2x8x128xf32, #tpu.memory_space<vmem>>
        %dma_start3A_1242 = tpu.memref_squeeze %dma_start3A_1241 : memref<1x1x2x8x128xf32, #tpu.memory_space<vmem>> -> memref<2x8x128xf32, #tpu.memory_space<vmem>>
        %dma_start3A_1243 = arith.constant 0 : i32
        %dma_start3A_1244 = arith.constant 0 : i32
        %dma_start3A_1245 = tpu.memref_slice %arg3[%dma_start3A_1243, %dma_start3A_1244, %multiple_of3A_1236] : memref<2x8x1000000xf32, #tpu.memory_space<hbm>> -> memref<2x8x128xf32, #tpu.memory_space<hbm>>
        %dma_start3A_1246 = arith.constant 0 : i32
        %dma_start3A_1247 = arith.constant 0 : i32
        %dma_start3A_1248 = arith.constant 0 : i32
        %dma_start3A_1249 = tpu.memref_slice %arg6[%select_n3A_961, %dma_start3A_1237, %dma_start3A_1246, %dma_start3A_1247, %dma_start3A_1248] : memref<2x16x2x8x128xf32, #tpu.memory_space<vmem>> -> memref<1x1x2x8x128xf32, #tpu.memory_space<vmem>>
        %dma_start3A_1250 = tpu.memref_squeeze %dma_start3A_1249 : memref<1x1x2x8x128xf32, #tpu.memory_space<vmem>> -> memref<2x8x128xf32, #tpu.memory_space<vmem>>
        %dma_start3A_1251 = arith.constant 0 : i32
        %dma_start3A_1252 = arith.constant 0 : i32
        %dma_start3A_1253 = tpu.memref_slice %arg3[%dma_start3A_1251, %dma_start3A_1252, %multiple_of3A_1236] : memref<2x8x1000000xf32, #tpu.memory_space<hbm>> -> memref<2x8x128xf32, #tpu.memory_space<hbm>>
        tpu.enqueue_dma source(%dma_start3A_1253 : memref<2x8x128xf32, #tpu.memory_space<hbm>>) target(%dma_start3A_1250 : memref<2x8x128xf32, #tpu.memory_space<vmem>>) target_semaphore(%arg8 : memref<!tpu.dma_semaphore, #tpu.memory_space<semaphore_mem>>)
        %slice3A_1254 = vector.extract_strided_slice %get3A_967 {offsets = [13], sizes = [1], strides = [1]} : vector<16xi32> to vector<1xi32>
        %squeeze3A_1255 = vector.extract %slice3A_1254[0] : i32 from vector<1xi32>
        %and3A_1256 = arith.constant -128 : i32
        %and3A_1257 = arith.andi %squeeze3A_1255, %and3A_1256 : i32
        %multiple_of3A_1258 = tpu.assume_multiple %and3A_1257, 128 : i32
        %dma_start3A_1259 = arith.constant 13 : i32
        %dma_start3A_1260 = arith.constant 0 : i32
        %dma_start3A_1261 = arith.constant 0 : i32
        %dma_start3A_1262 = arith.constant 0 : i32
        %dma_start3A_1263 = tpu.memref_slice %arg6[%select_n3A_961, %dma_start3A_1259, %dma_start3A_1260, %dma_start3A_1261, %dma_start3A_1262] : memref<2x16x2x8x128xf32, #tpu.memory_space<vmem>> -> memref<1x1x2x8x128xf32, #tpu.memory_space<vmem>>
        %dma_start3A_1264 = tpu.memref_squeeze %dma_start3A_1263 : memref<1x1x2x8x128xf32, #tpu.memory_space<vmem>> -> memref<2x8x128xf32, #tpu.memory_space<vmem>>
        %dma_start3A_1265 = arith.constant 0 : i32
        %dma_start3A_1266 = arith.constant 0 : i32
        %dma_start3A_1267 = tpu.memref_slice %arg3[%dma_start3A_1265, %dma_start3A_1266, %multiple_of3A_1258] : memref<2x8x1000000xf32, #tpu.memory_space<hbm>> -> memref<2x8x128xf32, #tpu.memory_space<hbm>>
        %dma_start3A_1268 = arith.constant 0 : i32
        %dma_start3A_1269 = arith.constant 0 : i32
        %dma_start3A_1270 = arith.constant 0 : i32
        %dma_start3A_1271 = tpu.memref_slice %arg6[%select_n3A_961, %dma_start3A_1259, %dma_start3A_1268, %dma_start3A_1269, %dma_start3A_1270] : memref<2x16x2x8x128xf32, #tpu.memory_space<vmem>> -> memref<1x1x2x8x128xf32, #tpu.memory_space<vmem>>
        %dma_start3A_1272 = tpu.memref_squeeze %dma_start3A_1271 : memref<1x1x2x8x128xf32, #tpu.memory_space<vmem>> -> memref<2x8x128xf32, #tpu.memory_space<vmem>>
        %dma_start3A_1273 = arith.constant 0 : i32
        %dma_start3A_1274 = arith.constant 0 : i32
        %dma_start3A_1275 = tpu.memref_slice %arg3[%dma_start3A_1273, %dma_start3A_1274, %multiple_of3A_1258] : memref<2x8x1000000xf32, #tpu.memory_space<hbm>> -> memref<2x8x128xf32, #tpu.memory_space<hbm>>
        tpu.enqueue_dma source(%dma_start3A_1275 : memref<2x8x128xf32, #tpu.memory_space<hbm>>) target(%dma_start3A_1272 : memref<2x8x128xf32, #tpu.memory_space<vmem>>) target_semaphore(%arg8 : memref<!tpu.dma_semaphore, #tpu.memory_space<semaphore_mem>>)
        %slice3A_1276 = vector.extract_strided_slice %get3A_967 {offsets = [14], sizes = [1], strides = [1]} : vector<16xi32> to vector<1xi32>
        %squeeze3A_1277 = vector.extract %slice3A_1276[0] : i32 from vector<1xi32>
        %and3A_1278 = arith.constant -128 : i32
        %and3A_1279 = arith.andi %squeeze3A_1277, %and3A_1278 : i32
        %multiple_of3A_1280 = tpu.assume_multiple %and3A_1279, 128 : i32
        %dma_start3A_1281 = arith.constant 14 : i32
        %dma_start3A_1282 = arith.constant 0 : i32
        %dma_start3A_1283 = arith.constant 0 : i32
        %dma_start3A_1284 = arith.constant 0 : i32
        %dma_start3A_1285 = tpu.memref_slice %arg6[%select_n3A_961, %dma_start3A_1281, %dma_start3A_1282, %dma_start3A_1283, %dma_start3A_1284] : memref<2x16x2x8x128xf32, #tpu.memory_space<vmem>> -> memref<1x1x2x8x128xf32, #tpu.memory_space<vmem>>
        %dma_start3A_1286 = tpu.memref_squeeze %dma_start3A_1285 : memref<1x1x2x8x128xf32, #tpu.memory_space<vmem>> -> memref<2x8x128xf32, #tpu.memory_space<vmem>>
        %dma_start3A_1287 = arith.constant 0 : i32
        %dma_start3A_1288 = arith.constant 0 : i32
        %dma_start3A_1289 = tpu.memref_slice %arg3[%dma_start3A_1287, %dma_start3A_1288, %multiple_of3A_1280] : memref<2x8x1000000xf32, #tpu.memory_space<hbm>> -> memref<2x8x128xf32, #tpu.memory_space<hbm>>
        %dma_start3A_1290 = arith.constant 0 : i32
        %dma_start3A_1291 = arith.constant 0 : i32
        %dma_start3A_1292 = arith.constant 0 : i32
        %dma_start3A_1293 = tpu.memref_slice %arg6[%select_n3A_961, %dma_start3A_1281, %dma_start3A_1290, %dma_start3A_1291, %dma_start3A_1292] : memref<2x16x2x8x128xf32, #tpu.memory_space<vmem>> -> memref<1x1x2x8x128xf32, #tpu.memory_space<vmem>>
        %dma_start3A_1294 = tpu.memref_squeeze %dma_start3A_1293 : memref<1x1x2x8x128xf32, #tpu.memory_space<vmem>> -> memref<2x8x128xf32, #tpu.memory_space<vmem>>
        %dma_start3A_1295 = arith.constant 0 : i32
        %dma_start3A_1296 = arith.constant 0 : i32
        %dma_start3A_1297 = tpu.memref_slice %arg3[%dma_start3A_1295, %dma_start3A_1296, %multiple_of3A_1280] : memref<2x8x1000000xf32, #tpu.memory_space<hbm>> -> memref<2x8x128xf32, #tpu.memory_space<hbm>>
        tpu.enqueue_dma source(%dma_start3A_1297 : memref<2x8x128xf32, #tpu.memory_space<hbm>>) target(%dma_start3A_1294 : memref<2x8x128xf32, #tpu.memory_space<vmem>>) target_semaphore(%arg8 : memref<!tpu.dma_semaphore, #tpu.memory_space<semaphore_mem>>)
        %slice3A_1298 = vector.extract_strided_slice %get3A_967 {offsets = [15], sizes = [1], strides = [1]} : vector<16xi32> to vector<1xi32>
        %squeeze3A_1299 = vector.extract %slice3A_1298[0] : i32 from vector<1xi32>
        %and3A_1300 = arith.constant -128 : i32
        %and3A_1301 = arith.andi %squeeze3A_1299, %and3A_1300 : i32
        %multiple_of3A_1302 = tpu.assume_multiple %and3A_1301, 128 : i32
        %dma_start3A_1303 = arith.constant 15 : i32
        %dma_start3A_1304 = arith.constant 0 : i32
        %dma_start3A_1305 = arith.constant 0 : i32
        %dma_start3A_1306 = arith.constant 0 : i32
        %dma_start3A_1307 = tpu.memref_slice %arg6[%select_n3A_961, %dma_start3A_1303, %dma_start3A_1304, %dma_start3A_1305, %dma_start3A_1306] : memref<2x16x2x8x128xf32, #tpu.memory_space<vmem>> -> memref<1x1x2x8x128xf32, #tpu.memory_space<vmem>>
        %dma_start3A_1308 = tpu.memref_squeeze %dma_start3A_1307 : memref<1x1x2x8x128xf32, #tpu.memory_space<vmem>> -> memref<2x8x128xf32, #tpu.memory_space<vmem>>
        %dma_start3A_1309 = arith.constant 0 : i32
        %dma_start3A_1310 = arith.constant 0 : i32
        %dma_start3A_1311 = tpu.memref_slice %arg3[%dma_start3A_1309, %dma_start3A_1310, %multiple_of3A_1302] : memref<2x8x1000000xf32, #tpu.memory_space<hbm>> -> memref<2x8x128xf32, #tpu.memory_space<hbm>>
        %dma_start3A_1312 = arith.constant 0 : i32
        %dma_start3A_1313 = arith.constant 0 : i32
        %dma_start3A_1314 = arith.constant 0 : i32
        %dma_start3A_1315 = tpu.memref_slice %arg6[%select_n3A_961, %dma_start3A_1303, %dma_start3A_1312, %dma_start3A_1313, %dma_start3A_1314] : memref<2x16x2x8x128xf32, #tpu.memory_space<vmem>> -> memref<1x1x2x8x128xf32, #tpu.memory_space<vmem>>
        %dma_start3A_1316 = tpu.memref_squeeze %dma_start3A_1315 : memref<1x1x2x8x128xf32, #tpu.memory_space<vmem>> -> memref<2x8x128xf32, #tpu.memory_space<vmem>>
        %dma_start3A_1317 = arith.constant 0 : i32
        %dma_start3A_1318 = arith.constant 0 : i32
        %dma_start3A_1319 = tpu.memref_slice %arg3[%dma_start3A_1317, %dma_start3A_1318, %multiple_of3A_1302] : memref<2x8x1000000xf32, #tpu.memory_space<hbm>> -> memref<2x8x128xf32, #tpu.memory_space<hbm>>
        tpu.enqueue_dma source(%dma_start3A_1319 : memref<2x8x128xf32, #tpu.memory_space<hbm>>) target(%dma_start3A_1316 : memref<2x8x128xf32, #tpu.memory_space<vmem>>) target_semaphore(%arg8 : memref<!tpu.dma_semaphore, #tpu.memory_space<semaphore_mem>>)
      } else {
      }
      %jit3A = arith.constant 2 : i32
      %eq3A = arith.constant 0 : i32
      %eq3A_378 = arith.cmpi eq, %jit3A, %eq3A : i32
      %jit3A_379 = arith.constant 1 : i32
      %select_n3A = arith.select %eq3A_378, %jit3A_379, %jit3A : i32
      %rem3A = arith.remsi %add3A_375, %select_n3A : i32
      %ne3A = arith.constant 0 : i32
      %ne3A_380 = arith.cmpi ne, %rem3A, %ne3A : i32
      %lt3A_381 = arith.constant 0 : i32
      %lt3A_382 = arith.cmpi slt, %rem3A, %lt3A_381 : i32
      %lt3A_383 = arith.constant 0 : i32
      %lt3A_384 = arith.cmpi slt, %select_n3A, %lt3A_383 : i32
      %ne3A_385 = arith.xori %lt3A_382, %lt3A_384 : i1
      %and3A_386 = arith.andi %ne3A_385, %ne3A_380 : i1
      %add3A_387 = arith.addi %rem3A, %select_n3A : i32
      %select_n3A_388 = arith.select %and3A_386, %add3A_387, %rem3A : i32
      %dma_wait3A = arith.constant 0 : i32
      %dma_wait3A_389 = arith.constant 0 : i32
      %dma_wait3A_390 = arith.constant 0 : i32
      %dma_wait3A_391 = arith.constant 0 : i32
      %dma_wait3A_392 = tpu.memref_slice %arg6[%select_n3A_388, %dma_wait3A, %dma_wait3A_389, %dma_wait3A_390, %dma_wait3A_391] : memref<2x16x2x8x128xf32, #tpu.memory_space<vmem>> -> memref<1x1x2x8x128xf32, #tpu.memory_space<vmem>>
      %dma_wait3A_393 = tpu.memref_squeeze %dma_wait3A_392 : memref<1x1x2x8x128xf32, #tpu.memory_space<vmem>> -> memref<2x8x128xf32, #tpu.memory_space<vmem>>
      %dma_wait3A_394 = arith.constant 0 : i32
      %dma_wait3A_395 = arith.constant 0 : i32
      %dma_wait3A_396 = arith.constant 0 : i32
      %dma_wait3A_397 = tpu.memref_slice %arg3[%dma_wait3A_394, %dma_wait3A_395, %dma_wait3A_396] : memref<2x8x1000000xf32, #tpu.memory_space<hbm>> -> memref<2x8x128xf32, #tpu.memory_space<hbm>>
      %dma_wait3A_398 = arith.constant 0 : i32
      %dma_wait3A_399 = arith.constant 0 : i32
      %dma_wait3A_400 = arith.constant 0 : i32
      %dma_wait3A_401 = tpu.memref_slice %arg6[%select_n3A_388, %dma_wait3A, %dma_wait3A_398, %dma_wait3A_399, %dma_wait3A_400] : memref<2x16x2x8x128xf32, #tpu.memory_space<vmem>> -> memref<1x1x2x8x128xf32, #tpu.memory_space<vmem>>
      %dma_wait3A_402 = tpu.memref_squeeze %dma_wait3A_401 : memref<1x1x2x8x128xf32, #tpu.memory_space<vmem>> -> memref<2x8x128xf32, #tpu.memory_space<vmem>>
      %dma_wait3A_403 = arith.constant 0 : i32
      %dma_wait3A_404 = arith.constant 0 : i32
      %dma_wait3A_405 = arith.constant 0 : i32
      %dma_wait3A_406 = tpu.memref_slice %arg3[%dma_wait3A_403, %dma_wait3A_404, %dma_wait3A_405] : memref<2x8x1000000xf32, #tpu.memory_space<hbm>> -> memref<2x8x128xf32, #tpu.memory_space<hbm>>
      tpu.wait_dma2 semaphore(%arg8 : memref<!tpu.dma_semaphore, #tpu.memory_space<semaphore_mem>>) src(%dma_wait3A_406 : memref<2x8x128xf32, #tpu.memory_space<hbm>>) dst(%dma_wait3A_402 : memref<2x8x128xf32, #tpu.memory_space<vmem>>)
      %dma_wait3A_407 = arith.constant 1 : i32
      %dma_wait3A_408 = arith.constant 0 : i32
      %dma_wait3A_409 = arith.constant 0 : i32
      %dma_wait3A_410 = arith.constant 0 : i32
      %dma_wait3A_411 = tpu.memref_slice %arg6[%select_n3A_388, %dma_wait3A_407, %dma_wait3A_408, %dma_wait3A_409, %dma_wait3A_410] : memref<2x16x2x8x128xf32, #tpu.memory_space<vmem>> -> memref<1x1x2x8x128xf32, #tpu.memory_space<vmem>>
      %dma_wait3A_412 = tpu.memref_squeeze %dma_wait3A_411 : memref<1x1x2x8x128xf32, #tpu.memory_space<vmem>> -> memref<2x8x128xf32, #tpu.memory_space<vmem>>
      %dma_wait3A_413 = arith.constant 0 : i32
      %dma_wait3A_414 = arith.constant 0 : i32
      %dma_wait3A_415 = arith.constant 0 : i32
      %dma_wait3A_416 = tpu.memref_slice %arg3[%dma_wait3A_413, %dma_wait3A_414, %dma_wait3A_415] : memref<2x8x1000000xf32, #tpu.memory_space<hbm>> -> memref<2x8x128xf32, #tpu.memory_space<hbm>>
      %dma_wait3A_417 = arith.constant 0 : i32
      %dma_wait3A_418 = arith.constant 0 : i32
      %dma_wait3A_419 = arith.constant 0 : i32
      %dma_wait3A_420 = tpu.memref_slice %arg6[%select_n3A_388, %dma_wait3A_407, %dma_wait3A_417, %dma_wait3A_418, %dma_wait3A_419] : memref<2x16x2x8x128xf32, #tpu.memory_space<vmem>> -> memref<1x1x2x8x128xf32, #tpu.memory_space<vmem>>
      %dma_wait3A_421 = tpu.memref_squeeze %dma_wait3A_420 : memref<1x1x2x8x128xf32, #tpu.memory_space<vmem>> -> memref<2x8x128xf32, #tpu.memory_space<vmem>>
      %dma_wait3A_422 = arith.constant 0 : i32
      %dma_wait3A_423 = arith.constant 0 : i32
      %dma_wait3A_424 = arith.constant 0 : i32
      %dma_wait3A_425 = tpu.memref_slice %arg3[%dma_wait3A_422, %dma_wait3A_423, %dma_wait3A_424] : memref<2x8x1000000xf32, #tpu.memory_space<hbm>> -> memref<2x8x128xf32, #tpu.memory_space<hbm>>
      tpu.wait_dma2 semaphore(%arg8 : memref<!tpu.dma_semaphore, #tpu.memory_space<semaphore_mem>>) src(%dma_wait3A_425 : memref<2x8x128xf32, #tpu.memory_space<hbm>>) dst(%dma_wait3A_421 : memref<2x8x128xf32, #tpu.memory_space<vmem>>)
      %dma_wait3A_426 = arith.constant 2 : i32
      %dma_wait3A_427 = arith.constant 0 : i32
      %dma_wait3A_428 = arith.constant 0 : i32
      %dma_wait3A_429 = arith.constant 0 : i32
      %dma_wait3A_430 = tpu.memref_slice %arg6[%select_n3A_388, %dma_wait3A_426, %dma_wait3A_427, %dma_wait3A_428, %dma_wait3A_429] : memref<2x16x2x8x128xf32, #tpu.memory_space<vmem>> -> memref<1x1x2x8x128xf32, #tpu.memory_space<vmem>>
      %dma_wait3A_431 = tpu.memref_squeeze %dma_wait3A_430 : memref<1x1x2x8x128xf32, #tpu.memory_space<vmem>> -> memref<2x8x128xf32, #tpu.memory_space<vmem>>
      %dma_wait3A_432 = arith.constant 0 : i32
      %dma_wait3A_433 = arith.constant 0 : i32
      %dma_wait3A_434 = arith.constant 0 : i32
      %dma_wait3A_435 = tpu.memref_slice %arg3[%dma_wait3A_432, %dma_wait3A_433, %dma_wait3A_434] : memref<2x8x1000000xf32, #tpu.memory_space<hbm>> -> memref<2x8x128xf32, #tpu.memory_space<hbm>>
      %dma_wait3A_436 = arith.constant 0 : i32
      %dma_wait3A_437 = arith.constant 0 : i32
      %dma_wait3A_438 = arith.constant 0 : i32
      %dma_wait3A_439 = tpu.memref_slice %arg6[%select_n3A_388, %dma_wait3A_426, %dma_wait3A_436, %dma_wait3A_437, %dma_wait3A_438] : memref<2x16x2x8x128xf32, #tpu.memory_space<vmem>> -> memref<1x1x2x8x128xf32, #tpu.memory_space<vmem>>
      %dma_wait3A_440 = tpu.memref_squeeze %dma_wait3A_439 : memref<1x1x2x8x128xf32, #tpu.memory_space<vmem>> -> memref<2x8x128xf32, #tpu.memory_space<vmem>>
      %dma_wait3A_441 = arith.constant 0 : i32
      %dma_wait3A_442 = arith.constant 0 : i32
      %dma_wait3A_443 = arith.constant 0 : i32
      %dma_wait3A_444 = tpu.memref_slice %arg3[%dma_wait3A_441, %dma_wait3A_442, %dma_wait3A_443] : memref<2x8x1000000xf32, #tpu.memory_space<hbm>> -> memref<2x8x128xf32, #tpu.memory_space<hbm>>
      tpu.wait_dma2 semaphore(%arg8 : memref<!tpu.dma_semaphore, #tpu.memory_space<semaphore_mem>>) src(%dma_wait3A_444 : memref<2x8x128xf32, #tpu.memory_space<hbm>>) dst(%dma_wait3A_440 : memref<2x8x128xf32, #tpu.memory_space<vmem>>)
      %dma_wait3A_445 = arith.constant 3 : i32
      %dma_wait3A_446 = arith.constant 0 : i32
      %dma_wait3A_447 = arith.constant 0 : i32
      %dma_wait3A_448 = arith.constant 0 : i32
      %dma_wait3A_449 = tpu.memref_slice %arg6[%select_n3A_388, %dma_wait3A_445, %dma_wait3A_446, %dma_wait3A_447, %dma_wait3A_448] : memref<2x16x2x8x128xf32, #tpu.memory_space<vmem>> -> memref<1x1x2x8x128xf32, #tpu.memory_space<vmem>>
      %dma_wait3A_450 = tpu.memref_squeeze %dma_wait3A_449 : memref<1x1x2x8x128xf32, #tpu.memory_space<vmem>> -> memref<2x8x128xf32, #tpu.memory_space<vmem>>
      %dma_wait3A_451 = arith.constant 0 : i32
      %dma_wait3A_452 = arith.constant 0 : i32
      %dma_wait3A_453 = arith.constant 0 : i32
      %dma_wait3A_454 = tpu.memref_slice %arg3[%dma_wait3A_451, %dma_wait3A_452, %dma_wait3A_453] : memref<2x8x1000000xf32, #tpu.memory_space<hbm>> -> memref<2x8x128xf32, #tpu.memory_space<hbm>>
      %dma_wait3A_455 = arith.constant 0 : i32
      %dma_wait3A_456 = arith.constant 0 : i32
      %dma_wait3A_457 = arith.constant 0 : i32
      %dma_wait3A_458 = tpu.memref_slice %arg6[%select_n3A_388, %dma_wait3A_445, %dma_wait3A_455, %dma_wait3A_456, %dma_wait3A_457] : memref<2x16x2x8x128xf32, #tpu.memory_space<vmem>> -> memref<1x1x2x8x128xf32, #tpu.memory_space<vmem>>
      %dma_wait3A_459 = tpu.memref_squeeze %dma_wait3A_458 : memref<1x1x2x8x128xf32, #tpu.memory_space<vmem>> -> memref<2x8x128xf32, #tpu.memory_space<vmem>>
      %dma_wait3A_460 = arith.constant 0 : i32
      %dma_wait3A_461 = arith.constant 0 : i32
      %dma_wait3A_462 = arith.constant 0 : i32
      %dma_wait3A_463 = tpu.memref_slice %arg3[%dma_wait3A_460, %dma_wait3A_461, %dma_wait3A_462] : memref<2x8x1000000xf32, #tpu.memory_space<hbm>> -> memref<2x8x128xf32, #tpu.memory_space<hbm>>
      tpu.wait_dma2 semaphore(%arg8 : memref<!tpu.dma_semaphore, #tpu.memory_space<semaphore_mem>>) src(%dma_wait3A_463 : memref<2x8x128xf32, #tpu.memory_space<hbm>>) dst(%dma_wait3A_459 : memref<2x8x128xf32, #tpu.memory_space<vmem>>)
      %dma_wait3A_464 = arith.constant 4 : i32
      %dma_wait3A_465 = arith.constant 0 : i32
      %dma_wait3A_466 = arith.constant 0 : i32
      %dma_wait3A_467 = arith.constant 0 : i32
      %dma_wait3A_468 = tpu.memref_slice %arg6[%select_n3A_388, %dma_wait3A_464, %dma_wait3A_465, %dma_wait3A_466, %dma_wait3A_467] : memref<2x16x2x8x128xf32, #tpu.memory_space<vmem>> -> memref<1x1x2x8x128xf32, #tpu.memory_space<vmem>>
      %dma_wait3A_469 = tpu.memref_squeeze %dma_wait3A_468 : memref<1x1x2x8x128xf32, #tpu.memory_space<vmem>> -> memref<2x8x128xf32, #tpu.memory_space<vmem>>
      %dma_wait3A_470 = arith.constant 0 : i32
      %dma_wait3A_471 = arith.constant 0 : i32
      %dma_wait3A_472 = arith.constant 0 : i32
      %dma_wait3A_473 = tpu.memref_slice %arg3[%dma_wait3A_470, %dma_wait3A_471, %dma_wait3A_472] : memref<2x8x1000000xf32, #tpu.memory_space<hbm>> -> memref<2x8x128xf32, #tpu.memory_space<hbm>>
      %dma_wait3A_474 = arith.constant 0 : i32
      %dma_wait3A_475 = arith.constant 0 : i32
      %dma_wait3A_476 = arith.constant 0 : i32
      %dma_wait3A_477 = tpu.memref_slice %arg6[%select_n3A_388, %dma_wait3A_464, %dma_wait3A_474, %dma_wait3A_475, %dma_wait3A_476] : memref<2x16x2x8x128xf32, #tpu.memory_space<vmem>> -> memref<1x1x2x8x128xf32, #tpu.memory_space<vmem>>
      %dma_wait3A_478 = tpu.memref_squeeze %dma_wait3A_477 : memref<1x1x2x8x128xf32, #tpu.memory_space<vmem>> -> memref<2x8x128xf32, #tpu.memory_space<vmem>>
      %dma_wait3A_479 = arith.constant 0 : i32
      %dma_wait3A_480 = arith.constant 0 : i32
      %dma_wait3A_481 = arith.constant 0 : i32
      %dma_wait3A_482 = tpu.memref_slice %arg3[%dma_wait3A_479, %dma_wait3A_480, %dma_wait3A_481] : memref<2x8x1000000xf32, #tpu.memory_space<hbm>> -> memref<2x8x128xf32, #tpu.memory_space<hbm>>
      tpu.wait_dma2 semaphore(%arg8 : memref<!tpu.dma_semaphore, #tpu.memory_space<semaphore_mem>>) src(%dma_wait3A_482 : memref<2x8x128xf32, #tpu.memory_space<hbm>>) dst(%dma_wait3A_478 : memref<2x8x128xf32, #tpu.memory_space<vmem>>)
      %dma_wait3A_483 = arith.constant 5 : i32
      %dma_wait3A_484 = arith.constant 0 : i32
      %dma_wait3A_485 = arith.constant 0 : i32
      %dma_wait3A_486 = arith.constant 0 : i32
      %dma_wait3A_487 = tpu.memref_slice %arg6[%select_n3A_388, %dma_wait3A_483, %dma_wait3A_484, %dma_wait3A_485, %dma_wait3A_486] : memref<2x16x2x8x128xf32, #tpu.memory_space<vmem>> -> memref<1x1x2x8x128xf32, #tpu.memory_space<vmem>>
      %dma_wait3A_488 = tpu.memref_squeeze %dma_wait3A_487 : memref<1x1x2x8x128xf32, #tpu.memory_space<vmem>> -> memref<2x8x128xf32, #tpu.memory_space<vmem>>
      %dma_wait3A_489 = arith.constant 0 : i32
      %dma_wait3A_490 = arith.constant 0 : i32
      %dma_wait3A_491 = arith.constant 0 : i32
      %dma_wait3A_492 = tpu.memref_slice %arg3[%dma_wait3A_489, %dma_wait3A_490, %dma_wait3A_491] : memref<2x8x1000000xf32, #tpu.memory_space<hbm>> -> memref<2x8x128xf32, #tpu.memory_space<hbm>>
      %dma_wait3A_493 = arith.constant 0 : i32
      %dma_wait3A_494 = arith.constant 0 : i32
      %dma_wait3A_495 = arith.constant 0 : i32
      %dma_wait3A_496 = tpu.memref_slice %arg6[%select_n3A_388, %dma_wait3A_483, %dma_wait3A_493, %dma_wait3A_494, %dma_wait3A_495] : memref<2x16x2x8x128xf32, #tpu.memory_space<vmem>> -> memref<1x1x2x8x128xf32, #tpu.memory_space<vmem>>
      %dma_wait3A_497 = tpu.memref_squeeze %dma_wait3A_496 : memref<1x1x2x8x128xf32, #tpu.memory_space<vmem>> -> memref<2x8x128xf32, #tpu.memory_space<vmem>>
      %dma_wait3A_498 = arith.constant 0 : i32
      %dma_wait3A_499 = arith.constant 0 : i32
      %dma_wait3A_500 = arith.constant 0 : i32
      %dma_wait3A_501 = tpu.memref_slice %arg3[%dma_wait3A_498, %dma_wait3A_499, %dma_wait3A_500] : memref<2x8x1000000xf32, #tpu.memory_space<hbm>> -> memref<2x8x128xf32, #tpu.memory_space<hbm>>
      tpu.wait_dma2 semaphore(%arg8 : memref<!tpu.dma_semaphore, #tpu.memory_space<semaphore_mem>>) src(%dma_wait3A_501 : memref<2x8x128xf32, #tpu.memory_space<hbm>>) dst(%dma_wait3A_497 : memref<2x8x128xf32, #tpu.memory_space<vmem>>)
      %dma_wait3A_502 = arith.constant 6 : i32
      %dma_wait3A_503 = arith.constant 0 : i32
      %dma_wait3A_504 = arith.constant 0 : i32
      %dma_wait3A_505 = arith.constant 0 : i32
      %dma_wait3A_506 = tpu.memref_slice %arg6[%select_n3A_388, %dma_wait3A_502, %dma_wait3A_503, %dma_wait3A_504, %dma_wait3A_505] : memref<2x16x2x8x128xf32, #tpu.memory_space<vmem>> -> memref<1x1x2x8x128xf32, #tpu.memory_space<vmem>>
      %dma_wait3A_507 = tpu.memref_squeeze %dma_wait3A_506 : memref<1x1x2x8x128xf32, #tpu.memory_space<vmem>> -> memref<2x8x128xf32, #tpu.memory_space<vmem>>
      %dma_wait3A_508 = arith.constant 0 : i32
      %dma_wait3A_509 = arith.constant 0 : i32
      %dma_wait3A_510 = arith.constant 0 : i32
      %dma_wait3A_511 = tpu.memref_slice %arg3[%dma_wait3A_508, %dma_wait3A_509, %dma_wait3A_510] : memref<2x8x1000000xf32, #tpu.memory_space<hbm>> -> memref<2x8x128xf32, #tpu.memory_space<hbm>>
      %dma_wait3A_512 = arith.constant 0 : i32
      %dma_wait3A_513 = arith.constant 0 : i32
      %dma_wait3A_514 = arith.constant 0 : i32
      %dma_wait3A_515 = tpu.memref_slice %arg6[%select_n3A_388, %dma_wait3A_502, %dma_wait3A_512, %dma_wait3A_513, %dma_wait3A_514] : memref<2x16x2x8x128xf32, #tpu.memory_space<vmem>> -> memref<1x1x2x8x128xf32, #tpu.memory_space<vmem>>
      %dma_wait3A_516 = tpu.memref_squeeze %dma_wait3A_515 : memref<1x1x2x8x128xf32, #tpu.memory_space<vmem>> -> memref<2x8x128xf32, #tpu.memory_space<vmem>>
      %dma_wait3A_517 = arith.constant 0 : i32
      %dma_wait3A_518 = arith.constant 0 : i32
      %dma_wait3A_519 = arith.constant 0 : i32
      %dma_wait3A_520 = tpu.memref_slice %arg3[%dma_wait3A_517, %dma_wait3A_518, %dma_wait3A_519] : memref<2x8x1000000xf32, #tpu.memory_space<hbm>> -> memref<2x8x128xf32, #tpu.memory_space<hbm>>
      tpu.wait_dma2 semaphore(%arg8 : memref<!tpu.dma_semaphore, #tpu.memory_space<semaphore_mem>>) src(%dma_wait3A_520 : memref<2x8x128xf32, #tpu.memory_space<hbm>>) dst(%dma_wait3A_516 : memref<2x8x128xf32, #tpu.memory_space<vmem>>)
      %dma_wait3A_521 = arith.constant 7 : i32
      %dma_wait3A_522 = arith.constant 0 : i32
      %dma_wait3A_523 = arith.constant 0 : i32
      %dma_wait3A_524 = arith.constant 0 : i32
      %dma_wait3A_525 = tpu.memref_slice %arg6[%select_n3A_388, %dma_wait3A_521, %dma_wait3A_522, %dma_wait3A_523, %dma_wait3A_524] : memref<2x16x2x8x128xf32, #tpu.memory_space<vmem>> -> memref<1x1x2x8x128xf32, #tpu.memory_space<vmem>>
      %dma_wait3A_526 = tpu.memref_squeeze %dma_wait3A_525 : memref<1x1x2x8x128xf32, #tpu.memory_space<vmem>> -> memref<2x8x128xf32, #tpu.memory_space<vmem>>
      %dma_wait3A_527 = arith.constant 0 : i32
      %dma_wait3A_528 = arith.constant 0 : i32
      %dma_wait3A_529 = arith.constant 0 : i32
      %dma_wait3A_530 = tpu.memref_slice %arg3[%dma_wait3A_527, %dma_wait3A_528, %dma_wait3A_529] : memref<2x8x1000000xf32, #tpu.memory_space<hbm>> -> memref<2x8x128xf32, #tpu.memory_space<hbm>>
      %dma_wait3A_531 = arith.constant 0 : i32
      %dma_wait3A_532 = arith.constant 0 : i32
      %dma_wait3A_533 = arith.constant 0 : i32
      %dma_wait3A_534 = tpu.memref_slice %arg6[%select_n3A_388, %dma_wait3A_521, %dma_wait3A_531, %dma_wait3A_532, %dma_wait3A_533] : memref<2x16x2x8x128xf32, #tpu.memory_space<vmem>> -> memref<1x1x2x8x128xf32, #tpu.memory_space<vmem>>
      %dma_wait3A_535 = tpu.memref_squeeze %dma_wait3A_534 : memref<1x1x2x8x128xf32, #tpu.memory_space<vmem>> -> memref<2x8x128xf32, #tpu.memory_space<vmem>>
      %dma_wait3A_536 = arith.constant 0 : i32
      %dma_wait3A_537 = arith.constant 0 : i32
      %dma_wait3A_538 = arith.constant 0 : i32
      %dma_wait3A_539 = tpu.memref_slice %arg3[%dma_wait3A_536, %dma_wait3A_537, %dma_wait3A_538] : memref<2x8x1000000xf32, #tpu.memory_space<hbm>> -> memref<2x8x128xf32, #tpu.memory_space<hbm>>
      tpu.wait_dma2 semaphore(%arg8 : memref<!tpu.dma_semaphore, #tpu.memory_space<semaphore_mem>>) src(%dma_wait3A_539 : memref<2x8x128xf32, #tpu.memory_space<hbm>>) dst(%dma_wait3A_535 : memref<2x8x128xf32, #tpu.memory_space<vmem>>)
      %dma_wait3A_540 = arith.constant 8 : i32
      %dma_wait3A_541 = arith.constant 0 : i32
      %dma_wait3A_542 = arith.constant 0 : i32
      %dma_wait3A_543 = arith.constant 0 : i32
      %dma_wait3A_544 = tpu.memref_slice %arg6[%select_n3A_388, %dma_wait3A_540, %dma_wait3A_541, %dma_wait3A_542, %dma_wait3A_543] : memref<2x16x2x8x128xf32, #tpu.memory_space<vmem>> -> memref<1x1x2x8x128xf32, #tpu.memory_space<vmem>>
      %dma_wait3A_545 = tpu.memref_squeeze %dma_wait3A_544 : memref<1x1x2x8x128xf32, #tpu.memory_space<vmem>> -> memref<2x8x128xf32, #tpu.memory_space<vmem>>
      %dma_wait3A_546 = arith.constant 0 : i32
      %dma_wait3A_547 = arith.constant 0 : i32
      %dma_wait3A_548 = arith.constant 0 : i32
      %dma_wait3A_549 = tpu.memref_slice %arg3[%dma_wait3A_546, %dma_wait3A_547, %dma_wait3A_548] : memref<2x8x1000000xf32, #tpu.memory_space<hbm>> -> memref<2x8x128xf32, #tpu.memory_space<hbm>>
      %dma_wait3A_550 = arith.constant 0 : i32
      %dma_wait3A_551 = arith.constant 0 : i32
      %dma_wait3A_552 = arith.constant 0 : i32
      %dma_wait3A_553 = tpu.memref_slice %arg6[%select_n3A_388, %dma_wait3A_540, %dma_wait3A_550, %dma_wait3A_551, %dma_wait3A_552] : memref<2x16x2x8x128xf32, #tpu.memory_space<vmem>> -> memref<1x1x2x8x128xf32, #tpu.memory_space<vmem>>
      %dma_wait3A_554 = tpu.memref_squeeze %dma_wait3A_553 : memref<1x1x2x8x128xf32, #tpu.memory_space<vmem>> -> memref<2x8x128xf32, #tpu.memory_space<vmem>>
      %dma_wait3A_555 = arith.constant 0 : i32
      %dma_wait3A_556 = arith.constant 0 : i32
      %dma_wait3A_557 = arith.constant 0 : i32
      %dma_wait3A_558 = tpu.memref_slice %arg3[%dma_wait3A_555, %dma_wait3A_556, %dma_wait3A_557] : memref<2x8x1000000xf32, #tpu.memory_space<hbm>> -> memref<2x8x128xf32, #tpu.memory_space<hbm>>
      tpu.wait_dma2 semaphore(%arg8 : memref<!tpu.dma_semaphore, #tpu.memory_space<semaphore_mem>>) src(%dma_wait3A_558 : memref<2x8x128xf32, #tpu.memory_space<hbm>>) dst(%dma_wait3A_554 : memref<2x8x128xf32, #tpu.memory_space<vmem>>)
      %dma_wait3A_559 = arith.constant 9 : i32
      %dma_wait3A_560 = arith.constant 0 : i32
      %dma_wait3A_561 = arith.constant 0 : i32
      %dma_wait3A_562 = arith.constant 0 : i32
      %dma_wait3A_563 = tpu.memref_slice %arg6[%select_n3A_388, %dma_wait3A_559, %dma_wait3A_560, %dma_wait3A_561, %dma_wait3A_562] : memref<2x16x2x8x128xf32, #tpu.memory_space<vmem>> -> memref<1x1x2x8x128xf32, #tpu.memory_space<vmem>>
      %dma_wait3A_564 = tpu.memref_squeeze %dma_wait3A_563 : memref<1x1x2x8x128xf32, #tpu.memory_space<vmem>> -> memref<2x8x128xf32, #tpu.memory_space<vmem>>
      %dma_wait3A_565 = arith.constant 0 : i32
      %dma_wait3A_566 = arith.constant 0 : i32
      %dma_wait3A_567 = arith.constant 0 : i32
      %dma_wait3A_568 = tpu.memref_slice %arg3[%dma_wait3A_565, %dma_wait3A_566, %dma_wait3A_567] : memref<2x8x1000000xf32, #tpu.memory_space<hbm>> -> memref<2x8x128xf32, #tpu.memory_space<hbm>>
      %dma_wait3A_569 = arith.constant 0 : i32
      %dma_wait3A_570 = arith.constant 0 : i32
      %dma_wait3A_571 = arith.constant 0 : i32
      %dma_wait3A_572 = tpu.memref_slice %arg6[%select_n3A_388, %dma_wait3A_559, %dma_wait3A_569, %dma_wait3A_570, %dma_wait3A_571] : memref<2x16x2x8x128xf32, #tpu.memory_space<vmem>> -> memref<1x1x2x8x128xf32, #tpu.memory_space<vmem>>
      %dma_wait3A_573 = tpu.memref_squeeze %dma_wait3A_572 : memref<1x1x2x8x128xf32, #tpu.memory_space<vmem>> -> memref<2x8x128xf32, #tpu.memory_space<vmem>>
      %dma_wait3A_574 = arith.constant 0 : i32
      %dma_wait3A_575 = arith.constant 0 : i32
      %dma_wait3A_576 = arith.constant 0 : i32
      %dma_wait3A_577 = tpu.memref_slice %arg3[%dma_wait3A_574, %dma_wait3A_575, %dma_wait3A_576] : memref<2x8x1000000xf32, #tpu.memory_space<hbm>> -> memref<2x8x128xf32, #tpu.memory_space<hbm>>
      tpu.wait_dma2 semaphore(%arg8 : memref<!tpu.dma_semaphore, #tpu.memory_space<semaphore_mem>>) src(%dma_wait3A_577 : memref<2x8x128xf32, #tpu.memory_space<hbm>>) dst(%dma_wait3A_573 : memref<2x8x128xf32, #tpu.memory_space<vmem>>)
      %dma_wait3A_578 = arith.constant 10 : i32
      %dma_wait3A_579 = arith.constant 0 : i32
      %dma_wait3A_580 = arith.constant 0 : i32
      %dma_wait3A_581 = arith.constant 0 : i32
      %dma_wait3A_582 = tpu.memref_slice %arg6[%select_n3A_388, %dma_wait3A_578, %dma_wait3A_579, %dma_wait3A_580, %dma_wait3A_581] : memref<2x16x2x8x128xf32, #tpu.memory_space<vmem>> -> memref<1x1x2x8x128xf32, #tpu.memory_space<vmem>>
      %dma_wait3A_583 = tpu.memref_squeeze %dma_wait3A_582 : memref<1x1x2x8x128xf32, #tpu.memory_space<vmem>> -> memref<2x8x128xf32, #tpu.memory_space<vmem>>
      %dma_wait3A_584 = arith.constant 0 : i32
      %dma_wait3A_585 = arith.constant 0 : i32
      %dma_wait3A_586 = arith.constant 0 : i32
      %dma_wait3A_587 = tpu.memref_slice %arg3[%dma_wait3A_584, %dma_wait3A_585, %dma_wait3A_586] : memref<2x8x1000000xf32, #tpu.memory_space<hbm>> -> memref<2x8x128xf32, #tpu.memory_space<hbm>>
      %dma_wait3A_588 = arith.constant 0 : i32
      %dma_wait3A_589 = arith.constant 0 : i32
      %dma_wait3A_590 = arith.constant 0 : i32
      %dma_wait3A_591 = tpu.memref_slice %arg6[%select_n3A_388, %dma_wait3A_578, %dma_wait3A_588, %dma_wait3A_589, %dma_wait3A_590] : memref<2x16x2x8x128xf32, #tpu.memory_space<vmem>> -> memref<1x1x2x8x128xf32, #tpu.memory_space<vmem>>
      %dma_wait3A_592 = tpu.memref_squeeze %dma_wait3A_591 : memref<1x1x2x8x128xf32, #tpu.memory_space<vmem>> -> memref<2x8x128xf32, #tpu.memory_space<vmem>>
      %dma_wait3A_593 = arith.constant 0 : i32
      %dma_wait3A_594 = arith.constant 0 : i32
      %dma_wait3A_595 = arith.constant 0 : i32
      %dma_wait3A_596 = tpu.memref_slice %arg3[%dma_wait3A_593, %dma_wait3A_594, %dma_wait3A_595] : memref<2x8x1000000xf32, #tpu.memory_space<hbm>> -> memref<2x8x128xf32, #tpu.memory_space<hbm>>
      tpu.wait_dma2 semaphore(%arg8 : memref<!tpu.dma_semaphore, #tpu.memory_space<semaphore_mem>>) src(%dma_wait3A_596 : memref<2x8x128xf32, #tpu.memory_space<hbm>>) dst(%dma_wait3A_592 : memref<2x8x128xf32, #tpu.memory_space<vmem>>)
      %dma_wait3A_597 = arith.constant 11 : i32
      %dma_wait3A_598 = arith.constant 0 : i32
      %dma_wait3A_599 = arith.constant 0 : i32
      %dma_wait3A_600 = arith.constant 0 : i32
      %dma_wait3A_601 = tpu.memref_slice %arg6[%select_n3A_388, %dma_wait3A_597, %dma_wait3A_598, %dma_wait3A_599, %dma_wait3A_600] : memref<2x16x2x8x128xf32, #tpu.memory_space<vmem>> -> memref<1x1x2x8x128xf32, #tpu.memory_space<vmem>>
      %dma_wait3A_602 = tpu.memref_squeeze %dma_wait3A_601 : memref<1x1x2x8x128xf32, #tpu.memory_space<vmem>> -> memref<2x8x128xf32, #tpu.memory_space<vmem>>
      %dma_wait3A_603 = arith.constant 0 : i32
      %dma_wait3A_604 = arith.constant 0 : i32
      %dma_wait3A_605 = arith.constant 0 : i32
      %dma_wait3A_606 = tpu.memref_slice %arg3[%dma_wait3A_603, %dma_wait3A_604, %dma_wait3A_605] : memref<2x8x1000000xf32, #tpu.memory_space<hbm>> -> memref<2x8x128xf32, #tpu.memory_space<hbm>>
      %dma_wait3A_607 = arith.constant 0 : i32
      %dma_wait3A_608 = arith.constant 0 : i32
      %dma_wait3A_609 = arith.constant 0 : i32
      %dma_wait3A_610 = tpu.memref_slice %arg6[%select_n3A_388, %dma_wait3A_597, %dma_wait3A_607, %dma_wait3A_608, %dma_wait3A_609] : memref<2x16x2x8x128xf32, #tpu.memory_space<vmem>> -> memref<1x1x2x8x128xf32, #tpu.memory_space<vmem>>
      %dma_wait3A_611 = tpu.memref_squeeze %dma_wait3A_610 : memref<1x1x2x8x128xf32, #tpu.memory_space<vmem>> -> memref<2x8x128xf32, #tpu.memory_space<vmem>>
      %dma_wait3A_612 = arith.constant 0 : i32
      %dma_wait3A_613 = arith.constant 0 : i32
      %dma_wait3A_614 = arith.constant 0 : i32
      %dma_wait3A_615 = tpu.memref_slice %arg3[%dma_wait3A_612, %dma_wait3A_613, %dma_wait3A_614] : memref<2x8x1000000xf32, #tpu.memory_space<hbm>> -> memref<2x8x128xf32, #tpu.memory_space<hbm>>
      tpu.wait_dma2 semaphore(%arg8 : memref<!tpu.dma_semaphore, #tpu.memory_space<semaphore_mem>>) src(%dma_wait3A_615 : memref<2x8x128xf32, #tpu.memory_space<hbm>>) dst(%dma_wait3A_611 : memref<2x8x128xf32, #tpu.memory_space<vmem>>)
      %dma_wait3A_616 = arith.constant 12 : i32
      %dma_wait3A_617 = arith.constant 0 : i32
      %dma_wait3A_618 = arith.constant 0 : i32
      %dma_wait3A_619 = arith.constant 0 : i32
      %dma_wait3A_620 = tpu.memref_slice %arg6[%select_n3A_388, %dma_wait3A_616, %dma_wait3A_617, %dma_wait3A_618, %dma_wait3A_619] : memref<2x16x2x8x128xf32, #tpu.memory_space<vmem>> -> memref<1x1x2x8x128xf32, #tpu.memory_space<vmem>>
      %dma_wait3A_621 = tpu.memref_squeeze %dma_wait3A_620 : memref<1x1x2x8x128xf32, #tpu.memory_space<vmem>> -> memref<2x8x128xf32, #tpu.memory_space<vmem>>
      %dma_wait3A_622 = arith.constant 0 : i32
      %dma_wait3A_623 = arith.constant 0 : i32
      %dma_wait3A_624 = arith.constant 0 : i32
      %dma_wait3A_625 = tpu.memref_slice %arg3[%dma_wait3A_622, %dma_wait3A_623, %dma_wait3A_624] : memref<2x8x1000000xf32, #tpu.memory_space<hbm>> -> memref<2x8x128xf32, #tpu.memory_space<hbm>>
      %dma_wait3A_626 = arith.constant 0 : i32
      %dma_wait3A_627 = arith.constant 0 : i32
      %dma_wait3A_628 = arith.constant 0 : i32
      %dma_wait3A_629 = tpu.memref_slice %arg6[%select_n3A_388, %dma_wait3A_616, %dma_wait3A_626, %dma_wait3A_627, %dma_wait3A_628] : memref<2x16x2x8x128xf32, #tpu.memory_space<vmem>> -> memref<1x1x2x8x128xf32, #tpu.memory_space<vmem>>
      %dma_wait3A_630 = tpu.memref_squeeze %dma_wait3A_629 : memref<1x1x2x8x128xf32, #tpu.memory_space<vmem>> -> memref<2x8x128xf32, #tpu.memory_space<vmem>>
      %dma_wait3A_631 = arith.constant 0 : i32
      %dma_wait3A_632 = arith.constant 0 : i32
      %dma_wait3A_633 = arith.constant 0 : i32
      %dma_wait3A_634 = tpu.memref_slice %arg3[%dma_wait3A_631, %dma_wait3A_632, %dma_wait3A_633] : memref<2x8x1000000xf32, #tpu.memory_space<hbm>> -> memref<2x8x128xf32, #tpu.memory_space<hbm>>
      tpu.wait_dma2 semaphore(%arg8 : memref<!tpu.dma_semaphore, #tpu.memory_space<semaphore_mem>>) src(%dma_wait3A_634 : memref<2x8x128xf32, #tpu.memory_space<hbm>>) dst(%dma_wait3A_630 : memref<2x8x128xf32, #tpu.memory_space<vmem>>)
      %dma_wait3A_635 = arith.constant 13 : i32
      %dma_wait3A_636 = arith.constant 0 : i32
      %dma_wait3A_637 = arith.constant 0 : i32
      %dma_wait3A_638 = arith.constant 0 : i32
      %dma_wait3A_639 = tpu.memref_slice %arg6[%select_n3A_388, %dma_wait3A_635, %dma_wait3A_636, %dma_wait3A_637, %dma_wait3A_638] : memref<2x16x2x8x128xf32, #tpu.memory_space<vmem>> -> memref<1x1x2x8x128xf32, #tpu.memory_space<vmem>>
      %dma_wait3A_640 = tpu.memref_squeeze %dma_wait3A_639 : memref<1x1x2x8x128xf32, #tpu.memory_space<vmem>> -> memref<2x8x128xf32, #tpu.memory_space<vmem>>
      %dma_wait3A_641 = arith.constant 0 : i32
      %dma_wait3A_642 = arith.constant 0 : i32
      %dma_wait3A_643 = arith.constant 0 : i32
      %dma_wait3A_644 = tpu.memref_slice %arg3[%dma_wait3A_641, %dma_wait3A_642, %dma_wait3A_643] : memref<2x8x1000000xf32, #tpu.memory_space<hbm>> -> memref<2x8x128xf32, #tpu.memory_space<hbm>>
      %dma_wait3A_645 = arith.constant 0 : i32
      %dma_wait3A_646 = arith.constant 0 : i32
      %dma_wait3A_647 = arith.constant 0 : i32
      %dma_wait3A_648 = tpu.memref_slice %arg6[%select_n3A_388, %dma_wait3A_635, %dma_wait3A_645, %dma_wait3A_646, %dma_wait3A_647] : memref<2x16x2x8x128xf32, #tpu.memory_space<vmem>> -> memref<1x1x2x8x128xf32, #tpu.memory_space<vmem>>
      %dma_wait3A_649 = tpu.memref_squeeze %dma_wait3A_648 : memref<1x1x2x8x128xf32, #tpu.memory_space<vmem>> -> memref<2x8x128xf32, #tpu.memory_space<vmem>>
      %dma_wait3A_650 = arith.constant 0 : i32
      %dma_wait3A_651 = arith.constant 0 : i32
      %dma_wait3A_652 = arith.constant 0 : i32
      %dma_wait3A_653 = tpu.memref_slice %arg3[%dma_wait3A_650, %dma_wait3A_651, %dma_wait3A_652] : memref<2x8x1000000xf32, #tpu.memory_space<hbm>> -> memref<2x8x128xf32, #tpu.memory_space<hbm>>
      tpu.wait_dma2 semaphore(%arg8 : memref<!tpu.dma_semaphore, #tpu.memory_space<semaphore_mem>>) src(%dma_wait3A_653 : memref<2x8x128xf32, #tpu.memory_space<hbm>>) dst(%dma_wait3A_649 : memref<2x8x128xf32, #tpu.memory_space<vmem>>)
      %dma_wait3A_654 = arith.constant 14 : i32
      %dma_wait3A_655 = arith.constant 0 : i32
      %dma_wait3A_656 = arith.constant 0 : i32
      %dma_wait3A_657 = arith.constant 0 : i32
      %dma_wait3A_658 = tpu.memref_slice %arg6[%select_n3A_388, %dma_wait3A_654, %dma_wait3A_655, %dma_wait3A_656, %dma_wait3A_657] : memref<2x16x2x8x128xf32, #tpu.memory_space<vmem>> -> memref<1x1x2x8x128xf32, #tpu.memory_space<vmem>>
      %dma_wait3A_659 = tpu.memref_squeeze %dma_wait3A_658 : memref<1x1x2x8x128xf32, #tpu.memory_space<vmem>> -> memref<2x8x128xf32, #tpu.memory_space<vmem>>
      %dma_wait3A_660 = arith.constant 0 : i32
      %dma_wait3A_661 = arith.constant 0 : i32
      %dma_wait3A_662 = arith.constant 0 : i32
      %dma_wait3A_663 = tpu.memref_slice %arg3[%dma_wait3A_660, %dma_wait3A_661, %dma_wait3A_662] : memref<2x8x1000000xf32, #tpu.memory_space<hbm>> -> memref<2x8x128xf32, #tpu.memory_space<hbm>>
      %dma_wait3A_664 = arith.constant 0 : i32
      %dma_wait3A_665 = arith.constant 0 : i32
      %dma_wait3A_666 = arith.constant 0 : i32
      %dma_wait3A_667 = tpu.memref_slice %arg6[%select_n3A_388, %dma_wait3A_654, %dma_wait3A_664, %dma_wait3A_665, %dma_wait3A_666] : memref<2x16x2x8x128xf32, #tpu.memory_space<vmem>> -> memref<1x1x2x8x128xf32, #tpu.memory_space<vmem>>
      %dma_wait3A_668 = tpu.memref_squeeze %dma_wait3A_667 : memref<1x1x2x8x128xf32, #tpu.memory_space<vmem>> -> memref<2x8x128xf32, #tpu.memory_space<vmem>>
      %dma_wait3A_669 = arith.constant 0 : i32
      %dma_wait3A_670 = arith.constant 0 : i32
      %dma_wait3A_671 = arith.constant 0 : i32
      %dma_wait3A_672 = tpu.memref_slice %arg3[%dma_wait3A_669, %dma_wait3A_670, %dma_wait3A_671] : memref<2x8x1000000xf32, #tpu.memory_space<hbm>> -> memref<2x8x128xf32, #tpu.memory_space<hbm>>
      tpu.wait_dma2 semaphore(%arg8 : memref<!tpu.dma_semaphore, #tpu.memory_space<semaphore_mem>>) src(%dma_wait3A_672 : memref<2x8x128xf32, #tpu.memory_space<hbm>>) dst(%dma_wait3A_668 : memref<2x8x128xf32, #tpu.memory_space<vmem>>)
      %dma_wait3A_673 = arith.constant 15 : i32
      %dma_wait3A_674 = arith.constant 0 : i32
      %dma_wait3A_675 = arith.constant 0 : i32
      %dma_wait3A_676 = arith.constant 0 : i32
      %dma_wait3A_677 = tpu.memref_slice %arg6[%select_n3A_388, %dma_wait3A_673, %dma_wait3A_674, %dma_wait3A_675, %dma_wait3A_676] : memref<2x16x2x8x128xf32, #tpu.memory_space<vmem>> -> memref<1x1x2x8x128xf32, #tpu.memory_space<vmem>>
      %dma_wait3A_678 = tpu.memref_squeeze %dma_wait3A_677 : memref<1x1x2x8x128xf32, #tpu.memory_space<vmem>> -> memref<2x8x128xf32, #tpu.memory_space<vmem>>
      %dma_wait3A_679 = arith.constant 0 : i32
      %dma_wait3A_680 = arith.constant 0 : i32
      %dma_wait3A_681 = arith.constant 0 : i32
      %dma_wait3A_682 = tpu.memref_slice %arg3[%dma_wait3A_679, %dma_wait3A_680, %dma_wait3A_681] : memref<2x8x1000000xf32, #tpu.memory_space<hbm>> -> memref<2x8x128xf32, #tpu.memory_space<hbm>>
      %dma_wait3A_683 = arith.constant 0 : i32
      %dma_wait3A_684 = arith.constant 0 : i32
      %dma_wait3A_685 = arith.constant 0 : i32
      %dma_wait3A_686 = tpu.memref_slice %arg6[%select_n3A_388, %dma_wait3A_673, %dma_wait3A_683, %dma_wait3A_684, %dma_wait3A_685] : memref<2x16x2x8x128xf32, #tpu.memory_space<vmem>> -> memref<1x1x2x8x128xf32, #tpu.memory_space<vmem>>
      %dma_wait3A_687 = tpu.memref_squeeze %dma_wait3A_686 : memref<1x1x2x8x128xf32, #tpu.memory_space<vmem>> -> memref<2x8x128xf32, #tpu.memory_space<vmem>>
      %dma_wait3A_688 = arith.constant 0 : i32
      %dma_wait3A_689 = arith.constant 0 : i32
      %dma_wait3A_690 = arith.constant 0 : i32
      %dma_wait3A_691 = tpu.memref_slice %arg3[%dma_wait3A_688, %dma_wait3A_689, %dma_wait3A_690] : memref<2x8x1000000xf32, #tpu.memory_space<hbm>> -> memref<2x8x128xf32, #tpu.memory_space<hbm>>
      tpu.wait_dma2 semaphore(%arg8 : memref<!tpu.dma_semaphore, #tpu.memory_space<semaphore_mem>>) src(%dma_wait3A_691 : memref<2x8x128xf32, #tpu.memory_space<hbm>>) dst(%dma_wait3A_687 : memref<2x8x128xf32, #tpu.memory_space<vmem>>)
      %jit3A_692 = arith.constant 2 : i32
      %eq3A_693 = arith.constant 0 : i32
      %eq3A_694 = arith.cmpi eq, %jit3A_692, %eq3A_693 : i32
      %jit3A_695 = arith.constant 1 : i32
      %select_n3A_696 = arith.select %eq3A_694, %jit3A_695, %jit3A_692 : i32
      %rem3A_697 = arith.remsi %add3A_375, %select_n3A_696 : i32
      %ne3A_698 = arith.constant 0 : i32
      %ne3A_699 = arith.cmpi ne, %rem3A_697, %ne3A_698 : i32
      %lt3A_700 = arith.constant 0 : i32
      %lt3A_701 = arith.cmpi slt, %rem3A_697, %lt3A_700 : i32
      %lt3A_702 = arith.constant 0 : i32
      %lt3A_703 = arith.cmpi slt, %select_n3A_696, %lt3A_702 : i32
      %ne3A_704 = arith.xori %lt3A_701, %lt3A_703 : i1
      %and3A_705 = arith.andi %ne3A_704, %ne3A_699 : i1
      %add3A_706 = arith.addi %rem3A_697, %select_n3A_696 : i32
      %select_n3A_707 = arith.select %and3A_705, %add3A_706, %rem3A_697 : i32
      %mul3A_708 = arith.constant 16 : i32
      %mul3A_709 = arith.muli %add3A_375, %mul3A_708 : i32
      %add3A_710 = arith.constant 0 : i32
      %add3A_711 = arith.addi %mul3A_709, %add3A_710 : i32
      %get3A_712 = arith.index_cast %add3A_711 : i32 to index
      %get3A_713 = tpu.vector_load %arg5[%get3A_712] {strides = array<i32>} : memref<512xi32, #tpu.memory_space<vmem>>, vector<16xi32>,
      %and3A_714 = arith.constant 127 : i32
      %and3A_715 = vector.broadcast %and3A_714 : i32 to vector<16xi32>
      %and3A_716 = arith.andi %get3A_713, %and3A_715 : vector<16xi32>
      %broadcast_in_dim3A = arith.constant 0 : i32
      %broadcast_in_dim3A_717 = vector.broadcast %broadcast_in_dim3A : i32 to vector<16xi32>
      %add3A_718 = arith.addi %broadcast_in_dim3A_717, %iota3A : vector<16xi32>
      %broadcast_in_dim3A_719 = vector.broadcast %select_n3A_707 : i32 to vector<16xi32>
      %broadcast_in_dim3A_720 = arith.constant 0 : i32
      %broadcast_in_dim3A_721 = vector.broadcast %broadcast_in_dim3A_720 : i32 to vector<16xi32>
      %broadcast_in_dim3A_722 = arith.constant 0 : i32
      %broadcast_in_dim3A_723 = vector.broadcast %broadcast_in_dim3A_722 : i32 to vector<16xi32>
      %gather3A = tpu.vector_load_idx %arg6[%broadcast_in_dim3A_719, %add3A_718, %broadcast_in_dim3A_721, %broadcast_in_dim3A_723, %and3A_716] : memref<2x16x2x8x128xf32, #tpu.memory_space<vmem>>[vector<16xi32>, vector<16xi32>, vector<16xi32>, vector<16xi32>, vector<16xi32>], vector<16xf32>,
      %broadcast_in_dim3A_724 = arith.constant 0 : i32
      %broadcast_in_dim3A_725 = vector.broadcast %broadcast_in_dim3A_724 : i32 to vector<16xi32>
      %mul3A_726 = arith.constant 16 : i32
      %mul3A_727 = arith.muli %add3A_375, %mul3A_726 : i32
      %add3A_728 = arith.constant 0 : i32
      %add3A_729 = arith.addi %mul3A_727, %add3A_728 : i32
      %add3A_730 = vector.broadcast %add3A_729 : i32 to vector<16xi32>
      %add3A_731 = arith.addi %add3A_730, %iota3A : vector<16xi32>
      tpu.vector_store_idx %arg7[%broadcast_in_dim3A_725, %add3A_731], %gather3A : memref<16x512xf32, #tpu.memory_space<vmem>>[vector<16xi32>, vector<16xi32>], vector<16xf32>,
      %broadcast_in_dim3A_732 = vector.broadcast %select_n3A_707 : i32 to vector<16xi32>
      %broadcast_in_dim3A_733 = arith.constant 0 : i32
      %broadcast_in_dim3A_734 = vector.broadcast %broadcast_in_dim3A_733 : i32 to vector<16xi32>
      %broadcast_in_dim3A_735 = arith.constant 1 : i32
      %broadcast_in_dim3A_736 = vector.broadcast %broadcast_in_dim3A_735 : i32 to vector<16xi32>
      %gather3A_737 = tpu.vector_load_idx %arg6[%broadcast_in_dim3A_732, %add3A_718, %broadcast_in_dim3A_734, %broadcast_in_dim3A_736, %and3A_716] : memref<2x16x2x8x128xf32, #tpu.memory_space<vmem>>[vector<16xi32>, vector<16xi32>, vector<16xi32>, vector<16xi32>, vector<16xi32>], vector<16xf32>,
      %broadcast_in_dim3A_738 = arith.constant 1 : i32
      %broadcast_in_dim3A_739 = vector.broadcast %broadcast_in_dim3A_738 : i32 to vector<16xi32>
      %mul3A_740 = arith.constant 16 : i32
      %mul3A_741 = arith.muli %add3A_375, %mul3A_740 : i32
      %add3A_742 = arith.constant 0 : i32
      %add3A_743 = arith.addi %mul3A_741, %add3A_742 : i32
      %add3A_744 = vector.broadcast %add3A_743 : i32 to vector<16xi32>
      %add3A_745 = arith.addi %add3A_744, %iota3A : vector<16xi32>
      tpu.vector_store_idx %arg7[%broadcast_in_dim3A_739, %add3A_745], %gather3A_737 : memref<16x512xf32, #tpu.memory_space<vmem>>[vector<16xi32>, vector<16xi32>], vector<16xf32>,
      %broadcast_in_dim3A_746 = vector.broadcast %select_n3A_707 : i32 to vector<16xi32>
      %broadcast_in_dim3A_747 = arith.constant 0 : i32
      %broadcast_in_dim3A_748 = vector.broadcast %broadcast_in_dim3A_747 : i32 to vector<16xi32>
      %broadcast_in_dim3A_749 = arith.constant 2 : i32
      %broadcast_in_dim3A_750 = vector.broadcast %broadcast_in_dim3A_749 : i32 to vector<16xi32>
      %gather3A_751 = tpu.vector_load_idx %arg6[%broadcast_in_dim3A_746, %add3A_718, %broadcast_in_dim3A_748, %broadcast_in_dim3A_750, %and3A_716] : memref<2x16x2x8x128xf32, #tpu.memory_space<vmem>>[vector<16xi32>, vector<16xi32>, vector<16xi32>, vector<16xi32>, vector<16xi32>], vector<16xf32>,
      %broadcast_in_dim3A_752 = arith.constant 2 : i32
      %broadcast_in_dim3A_753 = vector.broadcast %broadcast_in_dim3A_752 : i32 to vector<16xi32>
      %mul3A_754 = arith.constant 16 : i32
      %mul3A_755 = arith.muli %add3A_375, %mul3A_754 : i32
      %add3A_756 = arith.constant 0 : i32
      %add3A_757 = arith.addi %mul3A_755, %add3A_756 : i32
      %add3A_758 = vector.broadcast %add3A_757 : i32 to vector<16xi32>
      %add3A_759 = arith.addi %add3A_758, %iota3A : vector<16xi32>
      tpu.vector_store_idx %arg7[%broadcast_in_dim3A_753, %add3A_759], %gather3A_751 : memref<16x512xf32, #tpu.memory_space<vmem>>[vector<16xi32>, vector<16xi32>], vector<16xf32>,
      %broadcast_in_dim3A_760 = vector.broadcast %select_n3A_707 : i32 to vector<16xi32>
      %broadcast_in_dim3A_761 = arith.constant 0 : i32
      %broadcast_in_dim3A_762 = vector.broadcast %broadcast_in_dim3A_761 : i32 to vector<16xi32>
      %broadcast_in_dim3A_763 = arith.constant 3 : i32
      %broadcast_in_dim3A_764 = vector.broadcast %broadcast_in_dim3A_763 : i32 to vector<16xi32>
      %gather3A_765 = tpu.vector_load_idx %arg6[%broadcast_in_dim3A_760, %add3A_718, %broadcast_in_dim3A_762, %broadcast_in_dim3A_764, %and3A_716] : memref<2x16x2x8x128xf32, #tpu.memory_space<vmem>>[vector<16xi32>, vector<16xi32>, vector<16xi32>, vector<16xi32>, vector<16xi32>], vector<16xf32>,
      %broadcast_in_dim3A_766 = arith.constant 3 : i32
      %broadcast_in_dim3A_767 = vector.broadcast %broadcast_in_dim3A_766 : i32 to vector<16xi32>
      %mul3A_768 = arith.constant 16 : i32
      %mul3A_769 = arith.muli %add3A_375, %mul3A_768 : i32
      %add3A_770 = arith.constant 0 : i32
      %add3A_771 = arith.addi %mul3A_769, %add3A_770 : i32
      %add3A_772 = vector.broadcast %add3A_771 : i32 to vector<16xi32>
      %add3A_773 = arith.addi %add3A_772, %iota3A : vector<16xi32>
      tpu.vector_store_idx %arg7[%broadcast_in_dim3A_767, %add3A_773], %gather3A_765 : memref<16x512xf32, #tpu.memory_space<vmem>>[vector<16xi32>, vector<16xi32>], vector<16xf32>,
      %broadcast_in_dim3A_774 = vector.broadcast %select_n3A_707 : i32 to vector<16xi32>
      %broadcast_in_dim3A_775 = arith.constant 0 : i32
      %broadcast_in_dim3A_776 = vector.broadcast %broadcast_in_dim3A_775 : i32 to vector<16xi32>
      %broadcast_in_dim3A_777 = arith.constant 4 : i32
      %broadcast_in_dim3A_778 = vector.broadcast %broadcast_in_dim3A_777 : i32 to vector<16xi32>
      %gather3A_779 = tpu.vector_load_idx %arg6[%broadcast_in_dim3A_774, %add3A_718, %broadcast_in_dim3A_776, %broadcast_in_dim3A_778, %and3A_716] : memref<2x16x2x8x128xf32, #tpu.memory_space<vmem>>[vector<16xi32>, vector<16xi32>, vector<16xi32>, vector<16xi32>, vector<16xi32>], vector<16xf32>,
      %broadcast_in_dim3A_780 = arith.constant 4 : i32
      %broadcast_in_dim3A_781 = vector.broadcast %broadcast_in_dim3A_780 : i32 to vector<16xi32>
      %mul3A_782 = arith.constant 16 : i32
      %mul3A_783 = arith.muli %add3A_375, %mul3A_782 : i32
      %add3A_784 = arith.constant 0 : i32
      %add3A_785 = arith.addi %mul3A_783, %add3A_784 : i32
      %add3A_786 = vector.broadcast %add3A_785 : i32 to vector<16xi32>
      %add3A_787 = arith.addi %add3A_786, %iota3A : vector<16xi32>
      tpu.vector_store_idx %arg7[%broadcast_in_dim3A_781, %add3A_787], %gather3A_779 : memref<16x512xf32, #tpu.memory_space<vmem>>[vector<16xi32>, vector<16xi32>], vector<16xf32>,
      %broadcast_in_dim3A_788 = vector.broadcast %select_n3A_707 : i32 to vector<16xi32>
      %broadcast_in_dim3A_789 = arith.constant 0 : i32
      %broadcast_in_dim3A_790 = vector.broadcast %broadcast_in_dim3A_789 : i32 to vector<16xi32>
      %broadcast_in_dim3A_791 = arith.constant 5 : i32
      %broadcast_in_dim3A_792 = vector.broadcast %broadcast_in_dim3A_791 : i32 to vector<16xi32>
      %gather3A_793 = tpu.vector_load_idx %arg6[%broadcast_in_dim3A_788, %add3A_718, %broadcast_in_dim3A_790, %broadcast_in_dim3A_792, %and3A_716] : memref<2x16x2x8x128xf32, #tpu.memory_space<vmem>>[vector<16xi32>, vector<16xi32>, vector<16xi32>, vector<16xi32>, vector<16xi32>], vector<16xf32>,
      %broadcast_in_dim3A_794 = arith.constant 5 : i32
      %broadcast_in_dim3A_795 = vector.broadcast %broadcast_in_dim3A_794 : i32 to vector<16xi32>
      %mul3A_796 = arith.constant 16 : i32
      %mul3A_797 = arith.muli %add3A_375, %mul3A_796 : i32
      %add3A_798 = arith.constant 0 : i32
      %add3A_799 = arith.addi %mul3A_797, %add3A_798 : i32
      %add3A_800 = vector.broadcast %add3A_799 : i32 to vector<16xi32>
      %add3A_801 = arith.addi %add3A_800, %iota3A : vector<16xi32>
      tpu.vector_store_idx %arg7[%broadcast_in_dim3A_795, %add3A_801], %gather3A_793 : memref<16x512xf32, #tpu.memory_space<vmem>>[vector<16xi32>, vector<16xi32>], vector<16xf32>,
      %broadcast_in_dim3A_802 = vector.broadcast %select_n3A_707 : i32 to vector<16xi32>
      %broadcast_in_dim3A_803 = arith.constant 0 : i32
      %broadcast_in_dim3A_804 = vector.broadcast %broadcast_in_dim3A_803 : i32 to vector<16xi32>
      %broadcast_in_dim3A_805 = arith.constant 6 : i32
      %broadcast_in_dim3A_806 = vector.broadcast %broadcast_in_dim3A_805 : i32 to vector<16xi32>
      %gather3A_807 = tpu.vector_load_idx %arg6[%broadcast_in_dim3A_802, %add3A_718, %broadcast_in_dim3A_804, %broadcast_in_dim3A_806, %and3A_716] : memref<2x16x2x8x128xf32, #tpu.memory_space<vmem>>[vector<16xi32>, vector<16xi32>, vector<16xi32>, vector<16xi32>, vector<16xi32>], vector<16xf32>,
      %broadcast_in_dim3A_808 = arith.constant 6 : i32
      %broadcast_in_dim3A_809 = vector.broadcast %broadcast_in_dim3A_808 : i32 to vector<16xi32>
      %mul3A_810 = arith.constant 16 : i32
      %mul3A_811 = arith.muli %add3A_375, %mul3A_810 : i32
      %add3A_812 = arith.constant 0 : i32
      %add3A_813 = arith.addi %mul3A_811, %add3A_812 : i32
      %add3A_814 = vector.broadcast %add3A_813 : i32 to vector<16xi32>
      %add3A_815 = arith.addi %add3A_814, %iota3A : vector<16xi32>
      tpu.vector_store_idx %arg7[%broadcast_in_dim3A_809, %add3A_815], %gather3A_807 : memref<16x512xf32, #tpu.memory_space<vmem>>[vector<16xi32>, vector<16xi32>], vector<16xf32>,
      %broadcast_in_dim3A_816 = vector.broadcast %select_n3A_707 : i32 to vector<16xi32>
      %broadcast_in_dim3A_817 = arith.constant 0 : i32
      %broadcast_in_dim3A_818 = vector.broadcast %broadcast_in_dim3A_817 : i32 to vector<16xi32>
      %broadcast_in_dim3A_819 = arith.constant 7 : i32
      %broadcast_in_dim3A_820 = vector.broadcast %broadcast_in_dim3A_819 : i32 to vector<16xi32>
      %gather3A_821 = tpu.vector_load_idx %arg6[%broadcast_in_dim3A_816, %add3A_718, %broadcast_in_dim3A_818, %broadcast_in_dim3A_820, %and3A_716] : memref<2x16x2x8x128xf32, #tpu.memory_space<vmem>>[vector<16xi32>, vector<16xi32>, vector<16xi32>, vector<16xi32>, vector<16xi32>], vector<16xf32>,
      %broadcast_in_dim3A_822 = arith.constant 7 : i32
      %broadcast_in_dim3A_823 = vector.broadcast %broadcast_in_dim3A_822 : i32 to vector<16xi32>
      %mul3A_824 = arith.constant 16 : i32
      %mul3A_825 = arith.muli %add3A_375, %mul3A_824 : i32
      %add3A_826 = arith.constant 0 : i32
      %add3A_827 = arith.addi %mul3A_825, %add3A_826 : i32
      %add3A_828 = vector.broadcast %add3A_827 : i32 to vector<16xi32>
      %add3A_829 = arith.addi %add3A_828, %iota3A : vector<16xi32>
      tpu.vector_store_idx %arg7[%broadcast_in_dim3A_823, %add3A_829], %gather3A_821 : memref<16x512xf32, #tpu.memory_space<vmem>>[vector<16xi32>, vector<16xi32>], vector<16xf32>,
      %broadcast_in_dim3A_830 = vector.broadcast %select_n3A_707 : i32 to vector<16xi32>
      %broadcast_in_dim3A_831 = arith.constant 1 : i32
      %broadcast_in_dim3A_832 = vector.broadcast %broadcast_in_dim3A_831 : i32 to vector<16xi32>
      %broadcast_in_dim3A_833 = arith.constant 0 : i32
      %broadcast_in_dim3A_834 = vector.broadcast %broadcast_in_dim3A_833 : i32 to vector<16xi32>
      %gather3A_835 = tpu.vector_load_idx %arg6[%broadcast_in_dim3A_830, %add3A_718, %broadcast_in_dim3A_832, %broadcast_in_dim3A_834, %and3A_716] : memref<2x16x2x8x128xf32, #tpu.memory_space<vmem>>[vector<16xi32>, vector<16xi32>, vector<16xi32>, vector<16xi32>, vector<16xi32>], vector<16xf32>,
      %broadcast_in_dim3A_836 = arith.constant 8 : i32
      %broadcast_in_dim3A_837 = vector.broadcast %broadcast_in_dim3A_836 : i32 to vector<16xi32>
      %mul3A_838 = arith.constant 16 : i32
      %mul3A_839 = arith.muli %add3A_375, %mul3A_838 : i32
      %add3A_840 = arith.constant 0 : i32
      %add3A_841 = arith.addi %mul3A_839, %add3A_840 : i32
      %add3A_842 = vector.broadcast %add3A_841 : i32 to vector<16xi32>
      %add3A_843 = arith.addi %add3A_842, %iota3A : vector<16xi32>
      tpu.vector_store_idx %arg7[%broadcast_in_dim3A_837, %add3A_843], %gather3A_835 : memref<16x512xf32, #tpu.memory_space<vmem>>[vector<16xi32>, vector<16xi32>], vector<16xf32>,
      %broadcast_in_dim3A_844 = vector.broadcast %select_n3A_707 : i32 to vector<16xi32>
      %broadcast_in_dim3A_845 = arith.constant 1 : i32
      %broadcast_in_dim3A_846 = vector.broadcast %broadcast_in_dim3A_845 : i32 to vector<16xi32>
      %broadcast_in_dim3A_847 = arith.constant 1 : i32
      %broadcast_in_dim3A_848 = vector.broadcast %broadcast_in_dim3A_847 : i32 to vector<16xi32>
      %gather3A_849 = tpu.vector_load_idx %arg6[%broadcast_in_dim3A_844, %add3A_718, %broadcast_in_dim3A_846, %broadcast_in_dim3A_848, %and3A_716] : memref<2x16x2x8x128xf32, #tpu.memory_space<vmem>>[vector<16xi32>, vector<16xi32>, vector<16xi32>, vector<16xi32>, vector<16xi32>], vector<16xf32>,
      %broadcast_in_dim3A_850 = arith.constant 9 : i32
      %broadcast_in_dim3A_851 = vector.broadcast %broadcast_in_dim3A_850 : i32 to vector<16xi32>
      %mul3A_852 = arith.constant 16 : i32
      %mul3A_853 = arith.muli %add3A_375, %mul3A_852 : i32
      %add3A_854 = arith.constant 0 : i32
      %add3A_855 = arith.addi %mul3A_853, %add3A_854 : i32
      %add3A_856 = vector.broadcast %add3A_855 : i32 to vector<16xi32>
      %add3A_857 = arith.addi %add3A_856, %iota3A : vector<16xi32>
      tpu.vector_store_idx %arg7[%broadcast_in_dim3A_851, %add3A_857], %gather3A_849 : memref<16x512xf32, #tpu.memory_space<vmem>>[vector<16xi32>, vector<16xi32>], vector<16xf32>,
      %broadcast_in_dim3A_858 = vector.broadcast %select_n3A_707 : i32 to vector<16xi32>
      %broadcast_in_dim3A_859 = arith.constant 1 : i32
      %broadcast_in_dim3A_860 = vector.broadcast %broadcast_in_dim3A_859 : i32 to vector<16xi32>
      %broadcast_in_dim3A_861 = arith.constant 2 : i32
      %broadcast_in_dim3A_862 = vector.broadcast %broadcast_in_dim3A_861 : i32 to vector<16xi32>
      %gather3A_863 = tpu.vector_load_idx %arg6[%broadcast_in_dim3A_858, %add3A_718, %broadcast_in_dim3A_860, %broadcast_in_dim3A_862, %and3A_716] : memref<2x16x2x8x128xf32, #tpu.memory_space<vmem>>[vector<16xi32>, vector<16xi32>, vector<16xi32>, vector<16xi32>, vector<16xi32>], vector<16xf32>,
      %broadcast_in_dim3A_864 = arith.constant 10 : i32
      %broadcast_in_dim3A_865 = vector.broadcast %broadcast_in_dim3A_864 : i32 to vector<16xi32>
      %mul3A_866 = arith.constant 16 : i32
      %mul3A_867 = arith.muli %add3A_375, %mul3A_866 : i32
      %add3A_868 = arith.constant 0 : i32
      %add3A_869 = arith.addi %mul3A_867, %add3A_868 : i32
      %add3A_870 = vector.broadcast %add3A_869 : i32 to vector<16xi32>
      %add3A_871 = arith.addi %add3A_870, %iota3A : vector<16xi32>
      tpu.vector_store_idx %arg7[%broadcast_in_dim3A_865, %add3A_871], %gather3A_863 : memref<16x512xf32, #tpu.memory_space<vmem>>[vector<16xi32>, vector<16xi32>], vector<16xf32>,
      %broadcast_in_dim3A_872 = vector.broadcast %select_n3A_707 : i32 to vector<16xi32>
      %broadcast_in_dim3A_873 = arith.constant 1 : i32
      %broadcast_in_dim3A_874 = vector.broadcast %broadcast_in_dim3A_873 : i32 to vector<16xi32>
      %broadcast_in_dim3A_875 = arith.constant 3 : i32
      %broadcast_in_dim3A_876 = vector.broadcast %broadcast_in_dim3A_875 : i32 to vector<16xi32>
      %gather3A_877 = tpu.vector_load_idx %arg6[%broadcast_in_dim3A_872, %add3A_718, %broadcast_in_dim3A_874, %broadcast_in_dim3A_876, %and3A_716] : memref<2x16x2x8x128xf32, #tpu.memory_space<vmem>>[vector<16xi32>, vector<16xi32>, vector<16xi32>, vector<16xi32>, vector<16xi32>], vector<16xf32>,
      %broadcast_in_dim3A_878 = arith.constant 11 : i32
      %broadcast_in_dim3A_879 = vector.broadcast %broadcast_in_dim3A_878 : i32 to vector<16xi32>
      %mul3A_880 = arith.constant 16 : i32
      %mul3A_881 = arith.muli %add3A_375, %mul3A_880 : i32
      %add3A_882 = arith.constant 0 : i32
      %add3A_883 = arith.addi %mul3A_881, %add3A_882 : i32
      %add3A_884 = vector.broadcast %add3A_883 : i32 to vector<16xi32>
      %add3A_885 = arith.addi %add3A_884, %iota3A : vector<16xi32>
      tpu.vector_store_idx %arg7[%broadcast_in_dim3A_879, %add3A_885], %gather3A_877 : memref<16x512xf32, #tpu.memory_space<vmem>>[vector<16xi32>, vector<16xi32>], vector<16xf32>,
      %broadcast_in_dim3A_886 = vector.broadcast %select_n3A_707 : i32 to vector<16xi32>
      %broadcast_in_dim3A_887 = arith.constant 1 : i32
      %broadcast_in_dim3A_888 = vector.broadcast %broadcast_in_dim3A_887 : i32 to vector<16xi32>
      %broadcast_in_dim3A_889 = arith.constant 4 : i32
      %broadcast_in_dim3A_890 = vector.broadcast %broadcast_in_dim3A_889 : i32 to vector<16xi32>
      %gather3A_891 = tpu.vector_load_idx %arg6[%broadcast_in_dim3A_886, %add3A_718, %broadcast_in_dim3A_888, %broadcast_in_dim3A_890, %and3A_716] : memref<2x16x2x8x128xf32, #tpu.memory_space<vmem>>[vector<16xi32>, vector<16xi32>, vector<16xi32>, vector<16xi32>, vector<16xi32>], vector<16xf32>,
      %broadcast_in_dim3A_892 = arith.constant 12 : i32
      %broadcast_in_dim3A_893 = vector.broadcast %broadcast_in_dim3A_892 : i32 to vector<16xi32>
      %mul3A_894 = arith.constant 16 : i32
      %mul3A_895 = arith.muli %add3A_375, %mul3A_894 : i32
      %add3A_896 = arith.constant 0 : i32
      %add3A_897 = arith.addi %mul3A_895, %add3A_896 : i32
      %add3A_898 = vector.broadcast %add3A_897 : i32 to vector<16xi32>
      %add3A_899 = arith.addi %add3A_898, %iota3A : vector<16xi32>
      tpu.vector_store_idx %arg7[%broadcast_in_dim3A_893, %add3A_899], %gather3A_891 : memref<16x512xf32, #tpu.memory_space<vmem>>[vector<16xi32>, vector<16xi32>], vector<16xf32>,
      %broadcast_in_dim3A_900 = vector.broadcast %select_n3A_707 : i32 to vector<16xi32>
      %broadcast_in_dim3A_901 = arith.constant 1 : i32
      %broadcast_in_dim3A_902 = vector.broadcast %broadcast_in_dim3A_901 : i32 to vector<16xi32>
      %broadcast_in_dim3A_903 = arith.constant 5 : i32
      %broadcast_in_dim3A_904 = vector.broadcast %broadcast_in_dim3A_903 : i32 to vector<16xi32>
      %gather3A_905 = tpu.vector_load_idx %arg6[%broadcast_in_dim3A_900, %add3A_718, %broadcast_in_dim3A_902, %broadcast_in_dim3A_904, %and3A_716] : memref<2x16x2x8x128xf32, #tpu.memory_space<vmem>>[vector<16xi32>, vector<16xi32>, vector<16xi32>, vector<16xi32>, vector<16xi32>], vector<16xf32>,
      %broadcast_in_dim3A_906 = arith.constant 13 : i32
      %broadcast_in_dim3A_907 = vector.broadcast %broadcast_in_dim3A_906 : i32 to vector<16xi32>
      %mul3A_908 = arith.constant 16 : i32
      %mul3A_909 = arith.muli %add3A_375, %mul3A_908 : i32
      %add3A_910 = arith.constant 0 : i32
      %add3A_911 = arith.addi %mul3A_909, %add3A_910 : i32
      %add3A_912 = vector.broadcast %add3A_911 : i32 to vector<16xi32>
      %add3A_913 = arith.addi %add3A_912, %iota3A : vector<16xi32>
      tpu.vector_store_idx %arg7[%broadcast_in_dim3A_907, %add3A_913], %gather3A_905 : memref<16x512xf32, #tpu.memory_space<vmem>>[vector<16xi32>, vector<16xi32>], vector<16xf32>,
      %broadcast_in_dim3A_914 = vector.broadcast %select_n3A_707 : i32 to vector<16xi32>
      %broadcast_in_dim3A_915 = arith.constant 1 : i32
      %broadcast_in_dim3A_916 = vector.broadcast %broadcast_in_dim3A_915 : i32 to vector<16xi32>
      %broadcast_in_dim3A_917 = arith.constant 6 : i32
      %broadcast_in_dim3A_918 = vector.broadcast %broadcast_in_dim3A_917 : i32 to vector<16xi32>
      %gather3A_919 = tpu.vector_load_idx %arg6[%broadcast_in_dim3A_914, %add3A_718, %broadcast_in_dim3A_916, %broadcast_in_dim3A_918, %and3A_716] : memref<2x16x2x8x128xf32, #tpu.memory_space<vmem>>[vector<16xi32>, vector<16xi32>, vector<16xi32>, vector<16xi32>, vector<16xi32>], vector<16xf32>,
      %broadcast_in_dim3A_920 = arith.constant 14 : i32
      %broadcast_in_dim3A_921 = vector.broadcast %broadcast_in_dim3A_920 : i32 to vector<16xi32>
      %mul3A_922 = arith.constant 16 : i32
      %mul3A_923 = arith.muli %add3A_375, %mul3A_922 : i32
      %add3A_924 = arith.constant 0 : i32
      %add3A_925 = arith.addi %mul3A_923, %add3A_924 : i32
      %add3A_926 = vector.broadcast %add3A_925 : i32 to vector<16xi32>
      %add3A_927 = arith.addi %add3A_926, %iota3A : vector<16xi32>
      tpu.vector_store_idx %arg7[%broadcast_in_dim3A_921, %add3A_927], %gather3A_919 : memref<16x512xf32, #tpu.memory_space<vmem>>[vector<16xi32>, vector<16xi32>], vector<16xf32>,
      %broadcast_in_dim3A_928 = vector.broadcast %select_n3A_707 : i32 to vector<16xi32>
      %broadcast_in_dim3A_929 = arith.constant 1 : i32
      %broadcast_in_dim3A_930 = vector.broadcast %broadcast_in_dim3A_929 : i32 to vector<16xi32>
      %broadcast_in_dim3A_931 = arith.constant 7 : i32
      %broadcast_in_dim3A_932 = vector.broadcast %broadcast_in_dim3A_931 : i32 to vector<16xi32>
      %gather3A_933 = tpu.vector_load_idx %arg6[%broadcast_in_dim3A_928, %add3A_718, %broadcast_in_dim3A_930, %broadcast_in_dim3A_932, %and3A_716] : memref<2x16x2x8x128xf32, #tpu.memory_space<vmem>>[vector<16xi32>, vector<16xi32>, vector<16xi32>, vector<16xi32>, vector<16xi32>], vector<16xf32>,
      %broadcast_in_dim3A_934 = arith.constant 15 : i32
      %broadcast_in_dim3A_935 = vector.broadcast %broadcast_in_dim3A_934 : i32 to vector<16xi32>
      %mul3A_936 = arith.constant 16 : i32
      %mul3A_937 = arith.muli %add3A_375, %mul3A_936 : i32
      %add3A_938 = arith.constant 0 : i32
      %add3A_939 = arith.addi %mul3A_937, %add3A_938 : i32
      %add3A_940 = vector.broadcast %add3A_939 : i32 to vector<16xi32>
      %add3A_941 = arith.addi %add3A_940, %iota3A : vector<16xi32>
      tpu.vector_store_idx %arg7[%broadcast_in_dim3A_935, %add3A_941], %gather3A_933 : memref<16x512xf32, #tpu.memory_space<vmem>>[vector<16xi32>, vector<16xi32>], vector<16xf32>,
    }
    %scan3A_370 = arith.constant 32 : i32
    "tpu.region"() ({
      %run_scoped3A = tpu.sem_alloc : memref<!tpu.dma_semaphore, #tpu.memory_space<semaphore_mem>>
      %dma_start3A_371 = arith.constant 0 : i32
      %dma_start3A_372 = tpu.memref_slice %arg4[%dma_start3A_371, %mul3A_2] : memref<16x16384xf32, #tpu.memory_space<hbm>> -> memref<16x512xf32, #tpu.memory_space<hbm>>
      %dma_start3A_373 = arith.constant 0 : i32
      %dma_start3A_374 = tpu.memref_slice %arg4[%dma_start3A_373, %mul3A_2] : memref<16x16384xf32, #tpu.memory_space<hbm>> -> memref<16x512xf32, #tpu.memory_space<hbm>>
      tpu.enqueue_dma source(%arg7 : memref<16x512xf32, #tpu.memory_space<vmem>>) target(%dma_start3A_374 : memref<16x512xf32, #tpu.memory_space<hbm>>) target_semaphore(%run_scoped3A : memref<!tpu.dma_semaphore, #tpu.memory_space<semaphore_mem>>)
      %dma_wait3A = arith.constant 0 : i32
      %dma_wait3A_375 = tpu.memref_slice %arg4[%dma_wait3A, %mul3A_2] : memref<16x16384xf32, #tpu.memory_space<hbm>> -> memref<16x512xf32, #tpu.memory_space<hbm>>
      %dma_wait3A_376 = arith.constant 0 : i32
      %dma_wait3A_377 = tpu.memref_slice %arg4[%dma_wait3A_376, %mul3A_2] : memref<16x16384xf32, #tpu.memory_space<hbm>> -> memref<16x512xf32, #tpu.memory_space<hbm>>
      tpu.wait_dma2 semaphore(%run_scoped3A : memref<!tpu.dma_semaphore, #tpu.memory_space<semaphore_mem>>) src(%arg7 : memref<16x512xf32, #tpu.memory_space<vmem>>) dst(%dma_wait3A_377 : memref<16x512xf32, #tpu.memory_space<hbm>>)
      tpu.yield
    }) : () -> ()
    return
  }
}

</mosaic_0001>

<sc_bundles>
// kernel: kernel.3.cloned.1.call-start
scs
__scs_entry_jumppad:
0x0: {  	(pc) =	sbr.rel $0x88, $3  }
0x1: {  	(tag) =	ssettag $0x0;
	lr =	simm.s32 $0x1  }
0x2: {  	[smem:$0x3F9F] =	sst lr;
	_ =	strace $0xD0000000  }
0x3: {  	_ = 	snop  }
0x4: {  	_ = 	snop  }
0x5: {  	_ = 	snop  }
0x6: {  	_ = 	snop  }
0x7: {  	_ = 	snop  }
__scs_overlays_trampoline_lowered:
0x8: {  	[smem:$0x3FAE] =	sst s0  }
0x9: {  	[smem:$0x3FAF] =	sst s1  }
0xa: {  	[smem:$0x3FB0] =	sst s2  }
0xb: {  	[smem:$0x3FB1] =	sst s3  }
0xc: {  	[smem:$0x3FB2] =	sst s4  }
0xd: {  	[smem:$0x3FB3] =	sst s5  }
0xe: {  	[smem:$0x3FB4] =	sst s6  }
0xf: {  	[smem:$0x3FB5] =	sst s7  }
0x10: {  	[smem:$0x3FB6] =	sst s8  }
0x11: {  	[smem:$0x3FB7] =	sst s9;
	s0 =	simm.s32 @!p0 $0x0  }
0x12: {  	s1 =	sld [smem:$0x3F9D];
	s0 =	simm.s32 @p0 $0x1  }
0x13: {  	[smem:$0x3FB8] =	sst s0;
	s0 =	simm.s32 @!p1 $0x0  }
0x14: {  	s2 =	sld [smem:$0x3F9C];
	s0 =	simm.s32 @p1 $0x1  }
0x15: {  	[smem:$0x3FB9] =	sst s0;
	s0 =	simm.s32 @!p2 $0x0  }
0x16: {  	s3 =	sld [smem:$0x3FDB];
	s0 =	simm.s32 @p2 $0x1  }
0x17: {  	s4 =	simm.s32 $0x1BF5;
	[smem:$0x3FBB] =	sst s0  }
0x18: {  	s0 =	sld [smem:$0x3F9E];
	_ =	swait.ge [sflag:s4], $0x0  }
0x19: {  	s7 =	sld [smem:$0x3F9F]  }
0x1a: {  	s8 =	sadd.s32 $0xFFFFE003, lr  }
0x1b: {  	s9 =	sadd.s32 $0xFFFFFEF7, lr;
	s5 =	simm.s32 $0xFFFFFFFF;
	p2 =	slt.u32 s8, $0xFFFFF086  }
0x1c: {  	p1 =	slt.u32 s9, $0xF7A;
	s5 =	simm.s32 @!p2 $0x0  }
0x1d: {  	s5 =	simm.s32 @p1 $0x1;
	p0 =	seq.s32 s7, s2  }
0x1e: {  	s7 =	smul.u32 @!p0 $0xF7A, s2;
	p2 =	seq.s32 @!p0 s5, $0x0  }
0x1f: {  	s9 =	smul.u32 $0xF7A, s1;
	s8 =	simm.s32 @!p0 $0x1BF5;
	p2 =	por !p2, p0  }
0x20: {  	[sflag:s8] =	ssyncset.s32 @!p0 $0xFFFFF086;
	s6 =	sadd.s32 @!p0 s3, s7;
	s7 =	simm.s32 @!p0 $0x108  }
0x21: {  	s3 =	sadd.s32 s3, s9;
	s6 =	sadd.s32 @!p0 $0x88, s6;
	s7 =	simm.s32 @p2 $0x1082  }
0x22: {  	[simem:s7], [sflag:s8] =	dma.local @!p0 [hbm:s6], $0xF7A  }
0x23: {  	s9 =	sor.u32 $0xD0000000, s2;
	s6 =	simm.s32 $0x108;
	_ =	swait.ge @!p0 [sflag:s8], $0x0  }
0x24: {  	s3 =	sadd.s32 $0x88, s3;
	s6 =	simm.s32 @!p1 $0x1082;
	[sflag:s4] =	ssyncset.s32 $0xFFFFF086  }
0x25: {  	[simem:s6], [sflag:s4] =	dma.local [hbm:s3], $0xF7A  }
0x26: {  	[smem:$0x3F9F] =	sst s1;
	(tag) =	ssettag s2;
	_ =	strace s9  }
0x27: {  	s1 =	sld [smem:$0x3FAF]  }
0x28: {  	s2 =	sld [smem:$0x3FB0]  }
0x29: {  	s4 =	sld [smem:$0x3FB2]  }
0x2a: {  	p0 =	seq.s32 s5, $0x0;
	s5 =	sld [smem:$0x3FB3]  }
0x2b: {  	s6 =	sld [smem:$0x3FB4]  }
0x2c: {  	s7 =	sld [smem:$0x3FB5]  }
0x2d: {  	s3 =	simm.s32 $0x108;
	s8 =	sld [smem:$0x3FB6]  }
0x2e: {  	s3 =	simm.s32 @!p0 $0x1082;
	s9 =	sld [smem:$0x3FB7]  }
0x2f: {  	lr =	sadd.s32 s0, s3;
	s0 =	sld [smem:$0x3FAE]  }
0x30: {  	s3 =	sld [smem:$0x3FB1]  }
0x31: {  	[smem:$0x3FBA] =	sst s10  }
0x32: {  	s10 =	sld [smem:$0x3FB8];
	_ =	sdelay $0x3  }
0x33: {  	p0 =	seq.s32 s10, $0x1;
	s10 =	sld [smem:$0x3FBA];
	_ =	sdelay $0x3  }
0x34: {  	[smem:$0x3FBA] =	sst s10  }
0x35: {  	s10 =	sld [smem:$0x3FB9];
	_ =	sdelay $0x3  }
0x36: {  	p1 =	seq.s32 s10, $0x1;
	s10 =	sld [smem:$0x3FBA];
	_ =	sdelay $0x3  }
0x37: {  	[smem:$0x3FBA] =	sst s10  }
0x38: {  	s10 =	sld [smem:$0x3FBB]  }
0x39: {  	_ = 	snop;
	(pc) =	sbr.ind lr, $3  }
0x3a: {  	_ = 	snop  }
0x3b: {  	_ = 	snop  }
0x3c: {  	p2 =	seq.s32 s10, $0x1;
	s10 =	sld [smem:$0x3FBA]  }
0x3d: {  	_ =	shalt  }
0x3e: {  	_ =	shalt  }
0x3f: {  	_ =	shalt  }
0x40: {  	_ =	shalt  }
0x41: {  	_ =	shalt  }
0x42: {  	_ =	shalt  }
0x43: {  	_ =	shalt  }
0x44: {  	_ =	shalt  }
0x45: {  	_ =	shalt  }
0x46: {  	_ =	shalt  }
0x47: {  	_ =	shalt  }
0x48: {  	_ =	shalt  }
0x49: {  	_ =	shalt  }
0x4a: {  	_ =	shalt  }
0x4b: {  	_ =	shalt  }
0x4c: {  	_ =	shalt  }
0x4d: {  	_ =	shalt  }
0x4e: {  	_ =	shalt  }
0x4f: {  	_ =	shalt  }
0x50: {  	_ =	shalt  }
0x51: {  	_ =	shalt  }
0x52: {  	_ =	shalt  }
0x53: {  	_ =	shalt  }
0x54: {  	_ =	shalt  }
0x55: {  	_ =	shalt  }
0x56: {  	_ =	shalt  }
0x57: {  	_ =	shalt  }
0x58: {  	_ =	shalt  }
0x59: {  	_ =	shalt  }
0x5a: {  	_ =	shalt  }
0x5b: {  	_ =	shalt  }
0x5c: {  	_ =	shalt  }
0x5d: {  	_ =	shalt  }
0x5e: {  	_ =	shalt  }
0x5f: {  	_ =	shalt  }
0x60: {  	_ =	shalt  }
0x61: {  	_ =	shalt  }
0x62: {  	_ =	shalt  }
0x63: {  	_ =	shalt  }
0x64: {  	_ =	shalt  }
0x65: {  	_ =	shalt  }
0x66: {  	_ =	shalt  }
0x67: {  	_ =	shalt  }
0x68: {  	_ =	shalt  }
0x69: {  	_ =	shalt  }
0x6a: {  	_ =	shalt  }
0x6b: {  	_ =	shalt  }
0x6c: {  	_ =	shalt  }
0x6d: {  	_ =	shalt  }
0x6e: {  	_ =	shalt  }
0x6f: {  	_ =	shalt  }
0x70: {  	_ =	shalt  }
0x71: {  	_ =	shalt  }
0x72: {  	_ =	shalt  }
0x73: {  	_ =	shalt  }
0x74: {  	_ =	shalt  }
0x75: {  	_ =	shalt  }
0x76: {  	_ =	shalt  }
0x77: {  	_ =	shalt  }
0x78: {  	_ =	shalt  }
0x79: {  	_ =	shalt  }
0x7a: {  	_ =	shalt  }
0x7b: {  	_ =	shalt  }
0x7c: {  	_ =	shalt  }
0x7d: {  	_ =	shalt  }
0x7e: {  	_ =	shalt  }
0x7f: {  	_ =	shalt  }
0x80: {  	_ =	shalt  }
0x81: {  	_ =	shalt  }
0x82: {  	_ =	shalt  }
0x83: {  	_ =	shalt  }
0x84: {  	_ =	shalt  }
0x85: {  	_ =	shalt  }
0x86: {  	_ =	shalt  }
0x87: {  	_ =	shalt  }
.Lfunc_end0:
.L_simem_size_0:
called_computation_lowered:
.L_overlay_start_0:
0x88: {  	s2 =	sld [smem:$0x3FD9]  }
0x89: {  	s3 =	sld [smem:$0x3FFE];
	_ =	sdelay $0x1  }
0x8a: {  	s1 =	srdreg.scid  }
0x8b: {  	s0 =	sand.u32 $0x1, s1  }
0x8c: {  	s18 =	sshll.u32 s0, $0xA;
	s2 =	sadd.s32 s3, s2  }
0x8d: {  	s2 =	sadd.s32 s2, s18  }
0x8e: {  	[smem:$0x3FC6] =	sst s2  }
0x8f: {  	_ = 	snop  }
0x90: {  	s2 =	sld [smem:$0x3FC9]  }
0x91: {  	s19 =	sld [smem:$0x3FC8]  }
0x92: {  	s4 =	sld [smem:$0x3FD0];
	(tm) =	ssettm $0x1  }
0x93: {  	s5 =	sld [smem:$0x3FFB];
	_ =	sdelay $0x3  }
0x94: {  	_ =	strace s5  }
0x95: {  	s5 =	sld [smem:$0x3FFC];
	_ =	sdelay $0x3  }
0x96: {  	_ =	strace s5  }
0x97: {  	s5 =	sld [smem:$0x3FFD];
	_ =	sdelay $0x3  }
0x98: {  	_ =	strace s5  }
0x99: {  	_ =	strace $0x8FFFFFFF  }
0x9a: {  	s20 =	sld [smem:$0x3FDB];
	_ =	sdelay $0x1  }
0x9b: {  	s6 =	simm.s32 $_scs_section_size  }
0x9c: {  	s7 =	simm.s32 $_size__tile_overlayer_lowered;
	s8 =	simm.s32 $_tile_overlayer_lowered  }
0x9d: {  	s23 =	simm.s32 $0x1BFF;
	s22 =	sshll.u32 s8, $0x1;
	s5 =	sadd.s32 s6, s20  }
0x9e: {  	s9 =	simm.s32 $0x0;
	s21 =	sshll.u32 s7, $0x1;
	s7 =	sadd.s32 s22, s5  }
0x9f: {  	[timem:s9], [sflag:s23] =	dma.local [hbm:s7], s21  }
0xa0: {  	_ =	swait.ge [sflag:s23], s21  }
0xa1: {  	s6 =	ssub.s32 $0x0, s21;
	[sflag:s23] =	ssyncset.done $0x0  }
0xa2: {  	[sflag:s23] =	ssyncadd.s32 s6;
	_ =	sdelay $0x1  }
0xa3: {  	s24 =	simm.s32 $0x1B8B  }
0xa4: {  	_ =	swait.ge [sflag:s24], $0x1  }
0xa5: {  	[sflag:s24] =	ssyncset.done $0x0  }
0xa6: {  	s25 =	simm.s32 $0x1B8E;
	[sflag:s24] =	ssyncadd.s32 $0xFFFFFFFF  }
0xa7: {  	s26 =	simm.s32 $execute0_lowered;
	[smem:$0x3FD2] =	sst s25  }
0xa8: {  	s6 =	sshll.u32 s26, $0x1;
	_ =	strace $0x80000046;
	[dreg:$0x1] =	wrdreg $0xFFFFFFFF  }
0xa9: {  	s28 =	simm.s32 $_size_execute0_lowered;
	s5 =	sadd.s32 s5, s6;
	[dreg:$0x0] =	wrdreg $0x0  }
0xaa: {  	s6 =	sshll.u32 s28, $0x1;
	[dreg:$0x2] =	wrdreg s5  }
0xab: {  	[dreg:$0x3] =	wrdreg s6  }
0xac: {  	[dreg:$0x4] =	wrdreg $0xC0  }
0xad: {  	_ =	task [dreg:s9], $0x5FFFF  }
0xae: {  	[dreg:$0x1] =	wrdreg $0xFFFFFFFF  }
0xaf: {  	[dreg:$0x0] =	wrdreg $0x60  }
0xb0: {  	[dreg:$0x2] =	wrdreg s2  }
0xb1: {  	[dreg:$0x3] =	wrdreg s19  }
0xb2: {  	[dreg:$0x4] =	wrdreg s4  }
0xb3: {  	[dreg:$0x5] =	wrdreg $0x9  }
0xb4: {  	_ =	task.clear_ibuf [dreg:s9], $0x6FFFF;
	_ =	strace $0x90000046  }
0xb5: {  	s29 =	simm.s32 $0x9;
	_ =	strace $0x80000048  }
0xb6: {  	_ =	swait.ge [sflag:s29], $0x1  }
0xb7: {  	[sflag:s29] =	ssyncadd.s32 $0xFFFFFFFF  }
0xb8: {  	_ =	strace $0x90000048  }
0xb9: {  	_ =	sfence  }
0xba: {  	s30 =	sld [smem:$0x0];
	_ =	sdelay $0x2  }
0xbb: {  	s31 =	sshll.u32 s1, $0xD;
	s1 =	sshrl.u32 s1, $0x2  }
0xbc: {  	s3 =	sand.u32 $0x4000, s31;
	s1 =	sadd.s32 s1, s30  }
0xbd: {  	s0 =	sor.u32 s3, s0;
	s1 =	sshll.u32 s1, $0x11  }
0xbe: {  	s0 =	sor.u32 s1, s0  }
0xbf: {  	s0 =	sadd.s32 $0x8F2B, s0  }
0xc0: {  	[sflag:s0] =	ssyncadd.remote.s32 $0x1  }
0xc1: {  	_ =	sfence.sel $0xFFFF  }
0xc2: {  	[dreg:$0x0] =	wrdreg $0xFFFFFFFF;
	(pc) =	sbr.abs _section_cstart, $3  }
0xc3: {  	[dreg:$0x1] =	wrdreg $0xFFFFFFFF  }
0xc4: {  	_ =	task.clear_ibuf [dreg:s9], $0x2FFFF;
	_ =	strace $0x9FFFFFFF  }
0xc5: {  	(tm) =	ssettm $0x7FFFFFFF  }
tec
execute0_lowered:
.L_overlay_start_1:
0x0: {  	(tag) =	ssettag $0x1  }
0x1: {  	s0 =	rddreg [dreg:$0x0]  }
0x2: {  	s1 =	rddreg [dreg:$0x1]  }
0x3: {  	s2 =	rddreg [dreg:$0x2]  }
0x4: {  	s3 =	srdreg.scid;
	s6 =	simm.s32 $0x0;
	s5 =	stileid.u32  }
0x5: {  	s7 =	simm.s32 $0x2;
	s8 =	simm.s32 $0x400;
	s9 =	simm.s32 $0x7A1400  }
0x6: {  	s10 =	simm.s32 $0x200;
	s13 =	simm.s32 $0x1A00;
	s14 =	simm.s32 $0x2200  }
0x7: {  	s15 =	simm.s32 $0x2A00;
	s16 =	simm.s32 $0x3200;
	s17 =	simm.s32 $0x3A00  }
0x8: {  	s18 =	simm.s32 $0x4200;
	s19 =	simm.s32 $0x4A00;
	s20 =	simm.s32 $0x5200  }
0x9: {  	v0 =	vlaneseq.u32;
	s21 =	simm.s32 $0x5A00;
	s22 =	simm.s32 $0x6200;
	s23 =	simm.s32 $0x6A00  }
0xa: {  	s24 =	simm.s32 $0x7200;
	s28 =	simm.s32 $0x10200;
	s29 =	simm.s32 $0x1000;
	v1 =	vmul.u32 $0x800, v0  }
0xb: {  	s30 =	simm.s32 $0x20000;
	s31 =	simm.s32 $0x0;
	s3 =	sand.u32 $0x1, s3  }
.Ltmp0:
0xc: {  	s5 =	sshll.u32 s5, $0xA;
	s4 =	ssub.s32 $0x2, s3;
	v2 =	vor.u32 $0x80, v1;
	v3 =	vor.u32 $0x100, v1;
	v4 =	vor.u32 $0x180, v1;
	(pc) =	sbr.rel .LBB2_1-.Ltmp0, $4  }
0xd: {  	[smem:$0x7FF] =	sst s6;
	s3 =	sshll.u32 s3, $0x9;
	s25 =	sshrl.u32 s4, $0x1;
	v5 =	vor.u32 $0x200, v1;
	v6 =	vor.u32 $0x280, v1;
	v7 =	vor.u32 $0x300, v1  }
0xe: {  	_ =	strace $0x80000047;
	s3 =	sor.u32 s3, s5;
	v8 =	vor.u32 $0x380, v1;
	v9 =	vor.u32 $0x400, v1;
	v10 =	vor.u32 $0x480, v1;
	s6 =	ssub.s32 s4, s25  }
0xf: {  	v11 =	vor.u32 $0x500, v1;
	v12 =	vor.u32 $0x580, v1;
	v13 =	vor.u32 $0x600, v1;
	s26 =	sshrl.u32 s3, $0x3;
	s5 =	sadd.s32 s2, s3;
	s25 =	simm.s32 $0x7A00  }
0x10: {  	v14 =	vor.u32 $0x680, v1;
	v15 =	vor.u32 $0x700, v1;
	v16 =	vor.u32 $0x780, v1;
	s4 =	sadd.s32 s0, s26;
	s6 =	smax.u32 s6, $0x1;
	s26 =	simm.s32 $0x1  }
.LBB2_5:
0x11: {  	s31 =	sadd.s32 $0x1, s31  }
0x12: {  	p0 =	sne.s32 s31, s6  }
.Ltmp1:
0x13: {  	_ = 	snop;
	(pc) =	sbr.rel @!p0 .LBB2_6-.Ltmp1, $4  }
0x14: {  	[hbm4b:s5+s29] =	stream.strided.scatter [tilespmem:s28], [sflag:$0x2], $0x2000, s30, s29, $0x38;
	[tilespmem:$0x12200] =	vst v63  }
0x15: {  	_ =	swait.ge [sflag:s7], $0x2000  }
0x16: {  	[sflag:s7] =	ssyncset.done $0x0  }
0x17: {  	[sflag:s7] =	ssyncadd.s32 $0xFFFFE000  }
.LBB2_1:
0x18: {  	s0 =	simm.s32 $0x0  }
0x19: {  	[tilespmem:s0], [sflag:$0x2] =	stream.linear.gather [hbm4b:s4+s0], $0x200, $0x38;
	[tilespmem:$0x12200] =	vst v63  }
0x1a: {  	_ =	swait.ge [sflag:s7], $0x200  }
0x1b: {  	[sflag:s7] =	ssyncset.done $0x0  }
0x1c: {  	[sflag:s7] =	ssyncadd.s32 $0xFFFFFE00  }
0x1d: {  	v17 =	vld [tilespmem:$0x0];
	_ =	sdelay $0x4  }
0x1e: {  	(v2sf) =	vpush v17, $0x0;
	_ =	sdelay $0x1  }
0x1f: {  	(v2sf) =	vpush v17, $0x1;
	_ =	sdelay $0x1  }
0x20: {  	(v2sf) =	vpush v17, $0x2;
	_ =	sdelay $0x4  }
0x21: {  	(v2sf) =	vpush v17, $0x3;
	_ =	sdelay $0x5  }
0x22: {  	s12 =	spop (v2sf);
	(v2sf) =	vpush v17, $0x4;
	_ =	sdelay $0x1  }
0x23: {  	s2 =	spop (v2sf);
	(v2sf) =	vpush v17, $0x5;
	_ =	sdelay $0x1  }
0x24: {  	s3 =	spop (v2sf);
	(v2sf) =	vpush v17, $0x6;
	_ =	sdelay $0x1  }
0x25: {  	s0 =	sand.u32 $0xFFFFF80, s12  }
0x26: {  	s0 =	sadd.s32 s1, s0  }
0x27: {  	[tilespmem:s10], [sflag:$0x1] =	stream.strided.gather [hbm4b:s0+s8], $0x800, s9, s8, $0x38;
	[tilespmem:$0x12200] =	vst v63  }
0x28: {  	s0 =	sand.u32 $0xFFFFF80, s2;
	s12 =	spop (v2sf);
	(v2sf) =	vpush v17, $0x7  }
0x29: {  	s2 =	simm.s32 $0xA00;
	s0 =	sadd.s32 s1, s0  }
0x2a: {  	[tilespmem:s2], [sflag:$0x1] =	stream.strided.gather [hbm4b:s0+s8], $0x800, s9, s8, $0x38;
	[tilespmem:$0x12200] =	vst v63  }
0x2b: {  	s0 =	sand.u32 $0xFFFFF80, s3  }
0x2c: {  	s11 =	simm.s32 $0x1200;
	s0 =	sadd.s32 s1, s0  }
0x2d: {  	[tilespmem:s11], [sflag:$0x1] =	stream.strided.gather [hbm4b:s0+s8], $0x800, s9, s8, $0x38;
	[tilespmem:$0x12200] =	vst v63  }
0x2e: {  	s2 =	spop (v2sf);
	(v2sf) =	vpush v17, $0x8  }
0x2f: {  	s0 =	sand.u32 $0xFFFFF80, s12  }
0x30: {  	s0 =	sadd.s32 s1, s0;
	s3 =	spop (v2sf);
	(v2sf) =	vpush v17, $0x9  }
0x31: {  	[tilespmem:s13], [sflag:$0x1] =	stream.strided.gather [hbm4b:s0+s8], $0x800, s9, s8, $0x38;
	[tilespmem:$0x12200] =	vst v63  }
0x32: {  	s11 =	spop (v2sf);
	(v2sf) =	vpush v17, $0xA  }
0x33: {  	s0 =	sand.u32 $0xFFFFF80, s2  }
0x34: {  	s0 =	sadd.s32 s1, s0  }
0x35: {  	[tilespmem:s14], [sflag:$0x1] =	stream.strided.gather [hbm4b:s0+s8], $0x800, s9, s8, $0x38;
	[tilespmem:$0x12200] =	vst v63  }
0x36: {  	s0 =	sand.u32 $0xFFFFF80, s3  }
0x37: {  	s12 =	spop (v2sf);
	s0 =	sadd.s32 s1, s0  }
0x38: {  	(v2sf) =	vpush v17, $0xB;
	[tilespmem:s15], [sflag:$0x1] =	stream.strided.gather [hbm4b:s0+s8], $0x800, s9, s8, $0x38;
	[tilespmem:$0x12200] =	vst v63  }
0x39: {  	s0 =	sand.u32 $0xFFFFF80, s11  }
0x3a: {  	s0 =	sadd.s32 s1, s0  }
0x3b: {  	[tilespmem:s16], [sflag:$0x1] =	stream.strided.gather [hbm4b:s0+s8], $0x800, s9, s8, $0x38;
	[tilespmem:$0x12200] =	vst v63  }
0x3c: {  	s0 =	sand.u32 $0xFFFFF80, s12  }
0x3d: {  	s0 =	sadd.s32 s1, s0;
	s2 =	spop (v2sf);
	(v2sf) =	vpush v17, $0xC  }
0x3e: {  	[tilespmem:s17], [sflag:$0x1] =	stream.strided.gather [hbm4b:s0+s8], $0x800, s9, s8, $0x38;
	[tilespmem:$0x12200] =	vst v63  }
0x3f: {  	s3 =	spop (v2sf);
	(v2sf) =	vpush v17, $0xD  }
0x40: {  	s0 =	sand.u32 $0xFFFFF80, s2  }
0x41: {  	s0 =	sadd.s32 s1, s0;
	s11 =	spop (v2sf)  }
0x42: {  	(v2sf) =	vpush v17, $0xE;
	[tilespmem:s18], [sflag:$0x1] =	stream.strided.gather [hbm4b:s0+s8], $0x800, s9, s8, $0x38;
	[tilespmem:$0x12200] =	vst v63  }
0x43: {  	s0 =	sand.u32 $0xFFFFF80, s3  }
0x44: {  	s0 =	sadd.s32 s1, s0  }
0x45: {  	[tilespmem:s19], [sflag:$0x1] =	stream.strided.gather [hbm4b:s0+s8], $0x800, s9, s8, $0x38;
	[tilespmem:$0x12200] =	vst v63  }
0x46: {  	s0 =	sand.u32 $0xFFFFF80, s11  }
0x47: {  	s12 =	spop (v2sf);
	(v2sf) =	vpush v17, $0xF;
	s0 =	sadd.s32 s1, s0  }
0x48: {  	[tilespmem:s20], [sflag:$0x1] =	stream.strided.gather [hbm4b:s0+s8], $0x800, s9, s8, $0x38;
	[tilespmem:$0x12200] =	vst v63  }
0x49: {  	s0 =	sand.u32 $0xFFFFF80, s12  }
0x4a: {  	s0 =	sadd.s32 s1, s0  }
0x4b: {  	[tilespmem:s21], [sflag:$0x1] =	stream.strided.gather [hbm4b:s0+s8], $0x800, s9, s8, $0x38;
	[tilespmem:$0x12200] =	vst v63  }
0x4c: {  	s2 =	spop (v2sf)  }
0x4d: {  	s0 =	sand.u32 $0xFFFFF80, s2  }
0x4e: {  	s3 =	spop (v2sf);
	s0 =	sadd.s32 s1, s0  }
0x4f: {  	[tilespmem:s22], [sflag:$0x1] =	stream.strided.gather [hbm4b:s0+s8], $0x800, s9, s8, $0x38;
	[tilespmem:$0x12200] =	vst v63  }
0x50: {  	s0 =	sand.u32 $0xFFFFF80, s3  }
0x51: {  	s11 =	spop (v2sf);
	s0 =	sadd.s32 s1, s0  }
0x52: {  	[tilespmem:s23], [sflag:$0x1] =	stream.strided.gather [hbm4b:s0+s8], $0x800, s9, s8, $0x38;
	[tilespmem:$0x12200] =	vst v63  }
0x53: {  	s0 =	sand.u32 $0xFFFFF80, s11  }
0x54: {  	s0 =	sadd.s32 s1, s0  }
0x55: {  	[tilespmem:s24], [sflag:$0x1] =	stream.strided.gather [hbm4b:s0+s8], $0x800, s9, s8, $0x38;
	[tilespmem:$0x12200] =	vst v63  }
.Ltmp2:
0x56: {  	s12 =	spop (v2sf);
	(pc) =	sbr.rel .LBB2_2-.Ltmp2, $4  }
0x57: {  	s0 =	sand.u32 $0xFFFFF80, s12  }
0x58: {  	s0 =	sadd.s32 s1, s0  }
0x59: {  	[tilespmem:s25], [sflag:$0x1] =	stream.strided.gather [hbm4b:s0+s8], $0x800, s9, s8, $0x38;
	[tilespmem:$0x12200] =	vst v63  }
0x5a: {  	s0 =	simm.s32 $0x0  }
.LBB2_4:
0x5b: {  	_ =	swait.ge [sflag:s26], $0x800  }
0x5c: {  	[sflag:s26] =	ssyncset.done $0x0  }
0x5d: {  	[sflag:s26] =	ssyncadd.s32 $0xFFFFF800  }
0x5e: {  	_ =	swait.ge [sflag:s26], $0x800  }
0x5f: {  	[sflag:s26] =	ssyncset.done $0x0  }
0x60: {  	[sflag:s26] =	ssyncadd.s32 $0xFFFFF800  }
0x61: {  	_ =	swait.ge [sflag:s26], $0x800  }
0x62: {  	[sflag:s26] =	ssyncset.done $0x0  }
0x63: {  	[sflag:s26] =	ssyncadd.s32 $0xFFFFF800  }
0x64: {  	_ =	swait.ge [sflag:s26], $0x800  }
0x65: {  	[sflag:s26] =	ssyncset.done $0x0  }
0x66: {  	[sflag:s26] =	ssyncadd.s32 $0xFFFFF800  }
0x67: {  	_ =	swait.ge [sflag:s26], $0x800  }
0x68: {  	[sflag:s26] =	ssyncset.done $0x0  }
0x69: {  	[sflag:s26] =	ssyncadd.s32 $0xFFFFF800  }
0x6a: {  	_ =	swait.ge [sflag:s26], $0x800  }
0x6b: {  	[sflag:s26] =	ssyncset.done $0x0  }
0x6c: {  	[sflag:s26] =	ssyncadd.s32 $0xFFFFF800  }
0x6d: {  	_ =	swait.ge [sflag:s26], $0x800  }
0x6e: {  	[sflag:s26] =	ssyncset.done $0x0  }
0x6f: {  	[sflag:s26] =	ssyncadd.s32 $0xFFFFF800  }
0x70: {  	_ =	swait.ge [sflag:s26], $0x800  }
0x71: {  	[sflag:s26] =	ssyncset.done $0x0  }
0x72: {  	[sflag:s26] =	ssyncadd.s32 $0xFFFFF800  }
0x73: {  	_ =	swait.ge [sflag:s26], $0x800  }
0x74: {  	[sflag:s26] =	ssyncset.done $0x0  }
0x75: {  	[sflag:s26] =	ssyncadd.s32 $0xFFFFF800  }
0x76: {  	_ =	swait.ge [sflag:s26], $0x800  }
0x77: {  	[sflag:s26] =	ssyncset.done $0x0  }
0x78: {  	[sflag:s26] =	ssyncadd.s32 $0xFFFFF800  }
0x79: {  	_ =	swait.ge [sflag:s26], $0x800  }
0x7a: {  	[sflag:s26] =	ssyncset.done $0x0  }
0x7b: {  	[sflag:s26] =	ssyncadd.s32 $0xFFFFF800  }
0x7c: {  	_ =	swait.ge [sflag:s26], $0x800  }
0x7d: {  	[sflag:s26] =	ssyncset.done $0x0  }
0x7e: {  	[sflag:s26] =	ssyncadd.s32 $0xFFFFF800  }
0x7f: {  	_ =	swait.ge [sflag:s26], $0x800  }
0x80: {  	[sflag:s26] =	ssyncset.done $0x0  }
0x81: {  	[sflag:s26] =	ssyncadd.s32 $0xFFFFF800  }
0x82: {  	_ =	swait.ge [sflag:s26], $0x800  }
0x83: {  	[sflag:s26] =	ssyncset.done $0x0  }
0x84: {  	[sflag:s26] =	ssyncadd.s32 $0xFFFFF800  }
0x85: {  	_ =	swait.ge [sflag:s26], $0x800  }
0x86: {  	[sflag:s26] =	ssyncset.done $0x0  }
0x87: {  	[sflag:s26] =	ssyncadd.s32 $0xFFFFF800  }
0x88: {  	_ =	swait.ge [sflag:s26], $0x800  }
0x89: {  	[sflag:s26] =	ssyncset.done $0x0  }
0x8a: {  	s3 =	sshll.u32 s0, $0x4;
	[sflag:s26] =	ssyncadd.s32 $0xFFFFF800  }
0x8b: {  	v17 =	vld [tilespmem:s3+$0x0];
	_ =	sdelay $0x3  }
0x8c: {  	s12 =	sand.u32 $0x1, s0  }
0x8d: {  	s0 =	sshll.u32 s12, $0xF;
	v17 =	vand.u32 $0x7F, v17  }
0x8e: {  	v17 =	vor.u32 s0, v17  }
0x8f: {  	v18 =	vor.u32 v1, v17;
	_ =	sdelay $0x1  }
0x90: {  	v19 =	vmov s3  }
0x91: {  	v20 =	vor.u32 s3, v0;
	v19 =	vshll.u32 v19, $0x3  }
0x92: {  	v20 =	vand.u32 $0x7F, v20;
	v21 =	vand.u32 $0xC00, v19  }
0x93: {  	v21 =	vor.u32 v20, v21;
	v18 =	vld.idx.msk [tilespmem:v18+s10+$0x0], $0xffff  }
0x94: {  	v22 =	vor.u32 v2, v17;
	_ =	sdelay $0x3  }
0x95: {  	[tilespmem:v21+s28+$0x0] =	vst.idx.msk $0xffff, v18  }
0x96: {  	v39 =	vor.u32 $0x80, v21;
	v18 =	vld.idx.msk [tilespmem:v22+s10+$0x0], $0xffff  }
0x97: {  	v23 =	vor.u32 v3, v17;
	_ =	sdelay $0x3  }
0x98: {  	[tilespmem:v39+s28+$0x0] =	vst.idx.msk $0xffff, v18  }
0x99: {  	v40 =	vor.u32 $0x100, v21;
	v18 =	vld.idx.msk [tilespmem:v23+s10+$0x0], $0xffff  }
0x9a: {  	v41 =	vor.u32 v4, v17;
	_ =	sdelay $0x3  }
0x9b: {  	[tilespmem:v40+s28+$0x0] =	vst.idx.msk $0xffff, v18  }
0x9c: {  	v42 =	vor.u32 $0x180, v21;
	v18 =	vld.idx.msk [tilespmem:v41+s10+$0x0], $0xffff  }
0x9d: {  	v43 =	vor.u32 v5, v17;
	_ =	sdelay $0x3  }
0x9e: {  	[tilespmem:v42+s28+$0x0] =	vst.idx.msk $0xffff, v18  }
0x9f: {  	v44 =	vor.u32 $0x200, v21;
	v18 =	vld.idx.msk [tilespmem:v43+s10+$0x0], $0xffff  }
0xa0: {  	v45 =	vor.u32 v6, v17;
	_ =	sdelay $0x3  }
0xa1: {  	[tilespmem:v44+s28+$0x0] =	vst.idx.msk $0xffff, v18  }
0xa2: {  	v46 =	vor.u32 $0x280, v21;
	v18 =	vld.idx.msk [tilespmem:v45+s10+$0x0], $0xffff  }
0xa3: {  	v47 =	vor.u32 v7, v17;
	_ =	sdelay $0x3  }
0xa4: {  	[tilespmem:v46+s28+$0x0] =	vst.idx.msk $0xffff, v18  }
0xa5: {  	v48 =	vor.u32 $0x300, v21;
	v18 =	vld.idx.msk [tilespmem:v47+s10+$0x0], $0xffff  }
0xa6: {  	v49 =	vor.u32 v8, v17;
	_ =	sdelay $0x3  }
0xa7: {  	[tilespmem:v48+s28+$0x0] =	vst.idx.msk $0xffff, v18;
	v18 =	vor.u32 v19, v20  }
0xa8: {  	v19 =	vld.idx.msk [tilespmem:v49+s10+$0x0], $0xffff;
	v20 =	vor.u32 $0x380, v18  }
0xa9: {  	v50 =	vor.u32 v9, v17;
	_ =	sdelay $0x3  }
0xaa: {  	[tilespmem:v20+s28+$0x0] =	vst.idx.msk $0xffff, v19  }
0xab: {  	v51 =	vor.u32 $0x1000, v21;
	v19 =	vld.idx.msk [tilespmem:v50+s10+$0x0], $0xffff  }
0xac: {  	v52 =	vor.u32 v10, v17;
	_ =	sdelay $0x3  }
0xad: {  	[tilespmem:v51+s28+$0x0] =	vst.idx.msk $0xffff, v19  }
0xae: {  	v53 =	vor.u32 $0x1080, v21;
	v19 =	vld.idx.msk [tilespmem:v52+s10+$0x0], $0xffff  }
0xaf: {  	v54 =	vor.u32 v11, v17;
	_ =	sdelay $0x3  }
0xb0: {  	[tilespmem:v53+s28+$0x0] =	vst.idx.msk $0xffff, v19  }
0xb1: {  	v55 =	vor.u32 $0x1100, v21;
	v19 =	vld.idx.msk [tilespmem:v54+s10+$0x0], $0xffff  }
0xb2: {  	v56 =	vor.u32 v12, v17;
	_ =	sdelay $0x3  }
0xb3: {  	[tilespmem:v55+s28+$0x0] =	vst.idx.msk $0xffff, v19  }
0xb4: {  	v57 =	vor.u32 $0x1180, v21;
	v19 =	vld.idx.msk [tilespmem:v56+s10+$0x0], $0xffff  }
0xb5: {  	v58 =	vor.u32 v13, v17;
	_ =	sdelay $0x3  }
0xb6: {  	[tilespmem:v57+s28+$0x0] =	vst.idx.msk $0xffff, v19  }
0xb7: {  	v59 =	vor.u32 $0x1200, v21;
	v19 =	vld.idx.msk [tilespmem:v58+s10+$0x0], $0xffff  }
0xb8: {  	v60 =	vor.u32 v14, v17;
	_ =	sdelay $0x3  }
0xb9: {  	[tilespmem:v59+s28+$0x0] =	vst.idx.msk $0xffff, v19  }
0xba: {  	v61 =	vor.u32 $0x1280, v21;
	v19 =	vld.idx.msk [tilespmem:v60+s10+$0x0], $0xffff  }
0xbb: {  	v62 =	vor.u32 v15, v17;
	_ =	sdelay $0x3  }
0xbc: {  	[tilespmem:v61+s28+$0x0] =	vst.idx.msk $0xffff, v19  }
0xbd: {  	v63 =	vor.u32 $0x1300, v21;
	v19 =	vld.idx.msk [tilespmem:v62+s10+$0x0], $0xffff  }
0xbe: {  	v17 =	vor.u32 v16, v17;
	_ =	sdelay $0x3  }
0xbf: {  	[tilespmem:v63+s28+$0x0] =	vst.idx.msk $0xffff, v19  }
0xc0: {  	p0 =	sne.s32 s2, $0x20;
	v18 =	vor.u32 $0x1380, v18;
	v17 =	vld.idx.msk [tilespmem:v17+s10+$0x0], $0xffff  }
.Ltmp3:
0xc1: {  	_ = 	snop;
	(pc) =	sbr.rel @!p0 .LBB2_5-.Ltmp3, $2  }
0xc2: {  	_ =	sdelay $0x2  }
0xc3: {  	s0 =	smov.u32 s2;
	[tilespmem:v18+s28+$0x0] =	vst.idx.msk $0xffff, v17  }
.LBB2_2:
0xc4: {  	p0 =	seq.s32 s0, $0x1F  }
.Ltmp4:
0xc5: {  	_ = 	snop;
	(pc) =	sbr.rel @p0 .LBB2_4-.Ltmp4, $2  }
0xc6: {  	_ =	sdelay $0x2  }
0xc7: {  	s2 =	simm.s32 $0x20  }
0xc8: {  	s2 =	sadd.s32 $0x1, s0  }
0xc9: {  	s3 =	sshll.u32 s2, $0x4  }
0xca: {  	s3 =	sand.u32 $0x3FFFFFF0, s3  }
0xcb: {  	v17 =	vld [tilespmem:s3+$0x0];
	_ =	sdelay $0x4  }
0xcc: {  	(v2sf) =	vpush v17, $0x0;
	_ =	sdelay $0x3  }
0xcd: {  	(v2sf) =	vpush v17, $0x1;
	_ =	sdelay $0x3  }
0xce: {  	(v2sf) =	vpush v17, $0x2;
	_ =	sdelay $0x3  }
0xcf: {  	(v2sf) =	vpush v17, $0x3;
	_ =	sdelay $0x2  }
0xd0: {  	s12 =	sshll.u32 s2, $0xF;
	s11 =	spop (v2sf)  }
0xd1: {  	s3 =	sand.u32 $0x8000, s12;
	(v2sf) =	vpush v17, $0x4;
	s11 =	sand.u32 $0xFFFFF80, s11  }
0xd2: {  	s12 =	sor.u32 $0x200, s3;
	s11 =	sadd.s32 s1, s11  }
0xd3: {  	[tilespmem:s12], [sflag:$0x1] =	stream.strided.gather [hbm4b:s11+s8], $0x800, s9, s8, $0x38;
	[tilespmem:$0x12200] =	vst v63  }
0xd4: {  	s12 =	spop (v2sf)  }
0xd5: {  	(v2sf) =	vpush v17, $0x5;
	s11 =	sand.u32 $0xFFFFF80, s12  }
0xd6: {  	s12 =	sor.u32 $0xA00, s3;
	s11 =	sadd.s32 s1, s11  }
0xd7: {  	[tilespmem:s12], [sflag:$0x1] =	stream.strided.gather [hbm4b:s11+s8], $0x800, s9, s8, $0x38;
	[tilespmem:$0x12200] =	vst v63  }
0xd8: {  	s12 =	spop (v2sf)  }
0xd9: {  	(v2sf) =	vpush v17, $0x6;
	s11 =	sand.u32 $0xFFFFF80, s12  }
0xda: {  	s12 =	sor.u32 $0x1200, s3;
	s11 =	sadd.s32 s1, s11  }
0xdb: {  	[tilespmem:s12], [sflag:$0x1] =	stream.strided.gather [hbm4b:s11+s8], $0x800, s9, s8, $0x38;
	[tilespmem:$0x12200] =	vst v63  }
0xdc: {  	s12 =	spop (v2sf)  }
0xdd: {  	(v2sf) =	vpush v17, $0x7;
	s11 =	sand.u32 $0xFFFFF80, s12  }
0xde: {  	s12 =	sor.u32 $0x1A00, s3;
	s11 =	sadd.s32 s1, s11  }
0xdf: {  	[tilespmem:s12], [sflag:$0x1] =	stream.strided.gather [hbm4b:s11+s8], $0x800, s9, s8, $0x38;
	[tilespmem:$0x12200] =	vst v63  }
0xe0: {  	s12 =	spop (v2sf)  }
0xe1: {  	(v2sf) =	vpush v17, $0x8;
	s11 =	sand.u32 $0xFFFFF80, s12  }
0xe2: {  	s12 =	sor.u32 $0x2200, s3;
	s11 =	sadd.s32 s1, s11  }
0xe3: {  	[tilespmem:s12], [sflag:$0x1] =	stream.strided.gather [hbm4b:s11+s8], $0x800, s9, s8, $0x38;
	[tilespmem:$0x12200] =	vst v63  }
0xe4: {  	s12 =	spop (v2sf)  }
0xe5: {  	(v2sf) =	vpush v17, $0x9;
	s11 =	sand.u32 $0xFFFFF80, s12  }
0xe6: {  	s12 =	sor.u32 $0x2A00, s3;
	s11 =	sadd.s32 s1, s11  }
0xe7: {  	[tilespmem:s12], [sflag:$0x1] =	stream.strided.gather [hbm4b:s11+s8], $0x800, s9, s8, $0x38;
	[tilespmem:$0x12200] =	vst v63  }
0xe8: {  	s12 =	spop (v2sf)  }
0xe9: {  	(v2sf) =	vpush v17, $0xA;
	s11 =	sand.u32 $0xFFFFF80, s12  }
0xea: {  	s12 =	sor.u32 $0x3200, s3;
	s11 =	sadd.s32 s1, s11  }
0xeb: {  	[tilespmem:s12], [sflag:$0x1] =	stream.strided.gather [hbm4b:s11+s8], $0x800, s9, s8, $0x38;
	[tilespmem:$0x12200] =	vst v63  }
0xec: {  	s12 =	spop (v2sf)  }
0xed: {  	(v2sf) =	vpush v17, $0xB;
	s11 =	sand.u32 $0xFFFFF80, s12  }
0xee: {  	s12 =	sor.u32 $0x3A00, s3;
	s11 =	sadd.s32 s1, s11  }
0xef: {  	[tilespmem:s12], [sflag:$0x1] =	stream.strided.gather [hbm4b:s11+s8], $0x800, s9, s8, $0x38;
	[tilespmem:$0x12200] =	vst v63  }
0xf0: {  	s12 =	spop (v2sf)  }
0xf1: {  	(v2sf) =	vpush v17, $0xC;
	s11 =	sand.u32 $0xFFFFF80, s12  }
0xf2: {  	s12 =	sor.u32 $0x4200, s3;
	s11 =	sadd.s32 s1, s11  }
0xf3: {  	[tilespmem:s12], [sflag:$0x1] =	stream.strided.gather [hbm4b:s11+s8], $0x800, s9, s8, $0x38;
	[tilespmem:$0x12200] =	vst v63  }
0xf4: {  	s12 =	spop (v2sf)  }
0xf5: {  	(v2sf) =	vpush v17, $0xD;
	s11 =	sand.u32 $0xFFFFF80, s12  }
0xf6: {  	s12 =	sor.u32 $0x4A00, s3;
	s11 =	sadd.s32 s1, s11  }
0xf7: {  	[tilespmem:s12], [sflag:$0x1] =	stream.strided.gather [hbm4b:s11+s8], $0x800, s9, s8, $0x38;
	[tilespmem:$0x12200] =	vst v63  }
0xf8: {  	s12 =	spop (v2sf)  }
0xf9: {  	(v2sf) =	vpush v17, $0xE;
	s11 =	sand.u32 $0xFFFFF80, s12  }
0xfa: {  	s12 =	sor.u32 $0x5200, s3;
	s11 =	sadd.s32 s1, s11  }
0xfb: {  	[tilespmem:s12], [sflag:$0x1] =	stream.strided.gather [hbm4b:s11+s8], $0x800, s9, s8, $0x38;
	[tilespmem:$0x12200] =	vst v63  }
0xfc: {  	s12 =	spop (v2sf)  }
0xfd: {  	s11 =	sand.u32 $0xFFFFF80, s12  }
0xfe: {  	(v2sf) =	vpush v17, $0xF;
	s12 =	sor.u32 $0x5A00, s3;
	s11 =	sadd.s32 s1, s11  }
0xff: {  	[tilespmem:s12], [sflag:$0x1] =	stream.strided.gather [hbm4b:s11+s8], $0x800, s9, s8, $0x38;
	[tilespmem:$0x12200] =	vst v63  }
0x100: {  	s12 =	spop (v2sf)  }
0x101: {  	s11 =	sand.u32 $0xFFFFF80, s12  }
0x102: {  	s12 =	sor.u32 $0x6200, s3;
	s11 =	sadd.s32 s1, s11  }
0x103: {  	[tilespmem:s12], [sflag:$0x1] =	stream.strided.gather [hbm4b:s11+s8], $0x800, s9, s8, $0x38;
	[tilespmem:$0x12200] =	vst v63  }
0x104: {  	s12 =	spop (v2sf)  }
0x105: {  	s11 =	sand.u32 $0xFFFFF80, s12  }
0x106: {  	s12 =	sor.u32 $0x6A00, s3;
	s11 =	sadd.s32 s1, s11  }
0x107: {  	[tilespmem:s12], [sflag:$0x1] =	stream.strided.gather [hbm4b:s11+s8], $0x800, s9, s8, $0x38;
	[tilespmem:$0x12200] =	vst v63  }
0x108: {  	s12 =	spop (v2sf)  }
0x109: {  	s11 =	sand.u32 $0xFFFFF80, s12  }
0x10a: {  	s12 =	sor.u32 $0x7200, s3;
	s11 =	sadd.s32 s1, s11  }
0x10b: {  	[tilespmem:s12], [sflag:$0x1] =	stream.strided.gather [hbm4b:s11+s8], $0x800, s9, s8, $0x38;
	[tilespmem:$0x12200] =	vst v63  }
.Ltmp5:
0x10c: {  	_ = 	snop;
	(pc) =	sbr.rel .LBB2_4-.Ltmp5, $4  }
0x10d: {  	s12 =	spop (v2sf)  }
0x10e: {  	s11 =	sand.u32 $0xFFFFF80, s12  }
0x10f: {  	s3 =	sor.u32 $0x7A00, s3;
	s11 =	sadd.s32 s1, s11  }
0x110: {  	[tilespmem:s3], [sflag:$0x1] =	stream.strided.gather [hbm4b:s11+s8], $0x800, s9, s8, $0x38;
	[tilespmem:$0x12200] =	vst v63  }
.LBB2_6:
0x111: {  	_ =	sfence.sel $0x180000  }
0x112: {  	[bflag:$0x0] =	sbarrier.arrive $0xFFFF  }
0x113: {  	_ =	strace $0x90000047  }
0x114: {  	s0 =	stileid.u32;
	[bflag:$0x2] =	sbarrier.arrive $0xFFFF  }
0x115: {  	p0 =	sne.s32 s0, $0x0;
	s0 =	rddreg [dreg:$0x3]  }
0x116: {  	s0 =	sadd.s32 @!p0 $0x100000, s0  }
0x117: {  	[sflag:s0] =	ssyncadd.tile.s32 @!p0 $0x1;
	_ =	shalt  }
.Lfunc_end2:
_tile_overlayer_lowered:
.L_overlay_start_2:
0x118: {  	(tag) =	ssettag $0x2  }
0x119: {  	s0 =	rddreg [dreg:$0x0];
	s2 =	stileid.u32  }
0x11a: {  	s1 =	rddreg [dreg:$0x1];
	p0 =	sne.s32 s2, $0x0  }
0x11b: {  	s3 =	rddreg [dreg:$0x2];
	[bflag:$0x3] =	sbarrier.arrive $0xFFFF;
	s2 =	simm.s32 @!p0 $0x1C02  }
0x11c: {  	[timem:s3], [sflag:s2] =	dma.local @!p0 [hbm:s0], s1  }
0x11d: {  	s0 =	simm.s32 @!p0 $0x2  }
0x11e: {  	_ =	swait.ge @!p0 [sflag:s0], s1  }
0x11f: {  	s1 =	ssub.s32 @!p0 $0x0, s1;
	[sflag:s0] =	ssyncset.done @!p0 $0x0  }
0x120: {  	[sflag:s0] =	ssyncadd.s32 @!p0 s1  }
0x121: {  	[bflag:$0x3] =	sbarrier.arrive $0xFFFF  }
0x122: {  	_ =	shalt  }

</sc_bundles>
